<compile_context>
chip_gen: v7x
topology: tpu7x:2x2x1
jax: 0.10.2.dev20260603
libtpu: 0.0.44.dev20260713+nightly
codegen_flags: <defaults>
</compile_context>

<pallas_src>
import functools

import jax
import jax.numpy as jnp
import numpy as np
from jax import lax
from jax.experimental import pallas as pl
from jax.experimental.pallas import tpu as pltpu
from jax.experimental.pallas import tpu_sc as plsc

_NUM_IMGS = 128
_GLOBAL_SIZE = 32
_SEED = 41

_ROWS = 2048
_D = 256
_K = 64
_NSTEPS = _ROWS // _K
_HALF = _NSTEPS // 2
_NBUF = 2
_NW = 32


def _sc_gather(x2, cidx):
    mesh = plsc.VectorSubcoreMesh(core_axis_name="c", subcore_axis_name="s")

    @functools.partial(
        pl.kernel,
        mesh=mesh,
        out_type=jax.ShapeDtypeStruct((_GLOBAL_SIZE * _ROWS, _D), jnp.float32),
        scratch_types=[
            pltpu.VMEM((_NW + 16,), jnp.int32),
            pltpu.VMEM((_NBUF, _K, _D), jnp.float32),
            pltpu.VMEM_SHARED((16, _NBUF, _K, _D), jnp.float32),
            pltpu.SemaphoreType.DMA((_NBUF,)),
            pltpu.SemaphoreType.DMA((_NBUF,)),
            pltpu.SemaphoreType.DMA((_NBUF,)),
            pltpu.SemaphoreType.DMA((_NBUF,)),
        ],
    )
    def k(x_hbm, cidx_hbm, out_hbm, idx_v, bufa, bufb, gsa, ssa, gsb, ssb):
        cid = lax.axis_index("c")
        sid = lax.axis_index("s")
        wid = sid * 2 + cid
        pltpu.sync_copy(cidx_hbm, idx_v)
        src_base = idx_v[pl.ds(wid, 16)][0] * _ROWS
        base = wid * _ROWS

        def ga(s, b):
            return pltpu.make_async_copy(
                x_hbm.at[pl.ds(src_base + s * _K, _K)], bufa.at[b], gsa.at[b])

        def sa(s, b):
            return pltpu.make_async_copy(
                bufa.at[b], out_hbm.at[pl.ds(base + s * _K, _K)], ssa.at[b])

        def gb(s, b):
            return pltpu.make_async_copy(
                x_hbm.at[pl.ds(src_base + (_HALF + s) * _K, _K)],
                bufb.at[sid, b], gsb.at[b])

        def sb(s, b):
            return pltpu.make_async_copy(
                bufb.at[sid, b],
                out_hbm.at[pl.ds(base + (_HALF + s) * _K, _K)], ssb.at[b])

        for b in range(_NBUF):
            ga(b, b).start()
            gb(b, b).start()

        def body(t, _):
            s0 = t * _NBUF
            for b in range(_NBUF):
                ga(s0 + b, b).wait()
                sa(s0 + b, b).start()
                gb(s0 + b, b).wait()
                sb(s0 + b, b).start()
            for b in range(_NBUF):
                sa(s0 + b, b).wait()
                ga(s0 + b + _NBUF, b).start()
                sb(s0 + b, b).wait()
                gb(s0 + b + _NBUF, b).start()
            return _

        lax.fori_loop(0, _HALF // _NBUF - 1, body, None)
        s0 = _HALF - _NBUF
        for b in range(_NBUF):
            ga(s0 + b, b).wait()
            sa(s0 + b, b).start()
            gb(s0 + b, b).wait()
            sb(s0 + b, b).start()
        for b in range(_NBUF):
            sa(s0 + b, b).wait()
            sb(s0 + b, b).wait()

    return k(x2, cidx)


_RAND_SEQ = np.array(
    [0, 4, 10, 24, 27, 30, 32, 39, 48, 50, 60, 63, 67, 71, 74, 76,
     95, 96, 96, 98, 103, 106, 111, 112, 114, 117, 117, 119, 120, 120,
     123, 125], dtype=np.int32)
_IDX = np.concatenate([_RAND_SEQ, np.zeros((16,), np.int32)])


def kernel(x):
    x2 = x.reshape(_NUM_IMGS * _ROWS, _D)
    out2 = _sc_gather(x2, jnp.asarray(_IDX))
    return out2.reshape(_GLOBAL_SIZE, 2048, 256)

# --- scband reference (transcript-rebuilt; emitter-appended) ---
"""Pipeline reference for scband-global-pool-random-sampler-3100966388129 (READ-ONLY COPY).

The authoritative reference and input builder live on the scoring server;
editing this copy changes nothing except your own understanding.
"""

import jax, jax.numpy as jnp
import numpy as np

NUM_IMGS = 128
GLOBAL_SIZE = 32
SEED = 41

def setup_inputs(seed: int = 0) -> dict:
    key = jax.random.key(seed)
    x = jax.random.normal(key, (NUM_IMGS, 2048, 256), dtype=jnp.float32)
    return {"x": x}

def reference(x):
    # torch: rand_seq = randint(0, num_imgs, (global_size,)); sort; stack gathered slices
    rkey = jax.random.key(SEED)
    rand_seq = jax.random.randint(rkey, (GLOBAL_SIZE,), 0, NUM_IMGS)
    rand_seq = jnp.sort(rand_seq)
    # gather along leading dim (equivalent to stacking x[rand_idx] for each idx)
    out = jnp.take(x, rand_seq, axis=0)
    return out

if __name__ == "__main__":
    import jax
    _d = setup_inputs()
    print(jax.jit(kernel)(*tuple(_d.values())))

</pallas_src>

<mosaic_0001>
#map = affine_map<(d0, d1) -> (0, 0)>
#map1 = affine_map<(d0, d1) -> (0)>
module attributes {stable_mosaic.version = 14 : i64} {
  func.func @k(%arg0: i32, %arg1: i32, %arg2: memref<262144x256xf32, #tpu.memory_space<hbm>>, %arg3: memref<48xi32, #tpu.memory_space<hbm>>, %arg4: memref<65536x256xf32, #tpu.memory_space<hbm>>, %arg5: memref<48xi32, #tpu.memory_space<vmem>>, %arg6: memref<2x64x256xf32, #tpu.memory_space<vmem>>, %arg7: memref<16x2x64x256xf32, #tpu.memory_space<vmem_shared>>, %arg8: memref<2x!tpu.dma_semaphore, #tpu.memory_space<semaphore_mem>>, %arg9: memref<2x!tpu.dma_semaphore, #tpu.memory_space<semaphore_mem>>, %arg10: memref<2x!tpu.dma_semaphore, #tpu.memory_space<semaphore_mem>>, %arg11: memref<2x!tpu.dma_semaphore, #tpu.memory_space<semaphore_mem>>) attributes {dimension_semantics = [#tpu.dimension_semantics<core_parallel>, #tpu.dimension_semantics<subcore_parallel>], iteration_bounds = array<i64: 2, 16>, scalar_prefetch = 0 : i64, scratch_operands = 7 : i64, tpu.core_type = #tpu.core_type<sc_vector_subcore>, window_params = [{transform_indices = #map}, {transform_indices = #map1}, {transform_indices = #map}]} {
    %mul3A = arith.constant 2 : i32
    %mul3A_0 = arith.muli %arg1, %mul3A : i32
    %add3A = arith.addi %mul3A_0, %arg0 : i32
    "tpu.region"() ({
      %run_scoped3A = tpu.sem_alloc : memref<!tpu.dma_semaphore, #tpu.memory_space<semaphore_mem>>
      tpu.enqueue_dma source(%arg3 : memref<48xi32, #tpu.memory_space<hbm>>) target(%arg5 : memref<48xi32, #tpu.memory_space<vmem>>) target_semaphore(%run_scoped3A : memref<!tpu.dma_semaphore, #tpu.memory_space<semaphore_mem>>)
      tpu.wait_dma2 semaphore(%run_scoped3A : memref<!tpu.dma_semaphore, #tpu.memory_space<semaphore_mem>>) src(%arg3 : memref<48xi32, #tpu.memory_space<hbm>>) dst(%arg5 : memref<48xi32, #tpu.memory_space<vmem>>)
      tpu.yield
    }) : () -> ()
    %get3A = arith.index_cast %add3A : i32 to index
    %get3A_1 = tpu.vector_load %arg5[%get3A] {strides = array<i32>} : memref<48xi32, #tpu.memory_space<vmem>>, vector<16xi32>,
    %get3A_2 = vector.shape_cast %get3A_1 : vector<16xi32> to vector<16xi32>
    %slice3A = vector.extract_strided_slice %get3A_2 {offsets = [0], sizes = [1], strides = [1]} : vector<16xi32> to vector<1xi32>
    %squeeze3A = vector.extract %slice3A[0] : i32 from vector<1xi32>
    %mul3A_3 = arith.constant 2048 : i32
    %mul3A_4 = arith.muli %squeeze3A, %mul3A_3 : i32
    %mul3A_5 = arith.constant 2048 : i32
    %mul3A_6 = arith.muli %add3A, %mul3A_5 : i32
    %add3A_7 = arith.constant 0 : i32
    %add3A_8 = arith.addi %mul3A_4, %add3A_7 : i32
    %dma_start3A = arith.constant 0 : i32
    %dma_start3A_9 = arith.constant 0 : i32
    %dma_start3A_10 = arith.constant 0 : i32
    %dma_start3A_11 = arith.constant 0 : i32
    %dma_start3A_12 = tpu.memref_slice %arg6[%dma_start3A, %dma_start3A_10, %dma_start3A_11] : memref<2x64x256xf32, #tpu.memory_space<vmem>> -> memref<1x64x256xf32, #tpu.memory_space<vmem>>
    %dma_start3A_13 = tpu.memref_squeeze %dma_start3A_12 : memref<1x64x256xf32, #tpu.memory_space<vmem>> -> memref<64x256xf32, #tpu.memory_space<vmem>>
    %dma_start3A_14 = arith.constant 0 : i32
    %dma_start3A_15 = tpu.memref_slice %arg2[%add3A_8, %dma_start3A_14] : memref<262144x256xf32, #tpu.memory_space<hbm>> -> memref<64x256xf32, #tpu.memory_space<hbm>>
    %dma_start3A_16 = tpu.memref_slice %arg8[%dma_start3A_9] : memref<2x!tpu.dma_semaphore, #tpu.memory_space<semaphore_mem>> -> memref<1x!tpu.dma_semaphore, #tpu.memory_space<semaphore_mem>>
    %dma_start3A_17 = tpu.memref_squeeze %dma_start3A_16 : memref<1x!tpu.dma_semaphore, #tpu.memory_space<semaphore_mem>> -> memref<!tpu.dma_semaphore, #tpu.memory_space<semaphore_mem>>
    %dma_start3A_18 = arith.constant 0 : i32
    %dma_start3A_19 = arith.constant 0 : i32
    %dma_start3A_20 = tpu.memref_slice %arg6[%dma_start3A, %dma_start3A_18, %dma_start3A_19] : memref<2x64x256xf32, #tpu.memory_space<vmem>> -> memref<1x64x256xf32, #tpu.memory_space<vmem>>
    %dma_start3A_21 = tpu.memref_squeeze %dma_start3A_20 : memref<1x64x256xf32, #tpu.memory_space<vmem>> -> memref<64x256xf32, #tpu.memory_space<vmem>>
    %dma_start3A_22 = arith.constant 0 : i32
    %dma_start3A_23 = tpu.memref_slice %arg2[%add3A_8, %dma_start3A_22] : memref<262144x256xf32, #tpu.memory_space<hbm>> -> memref<64x256xf32, #tpu.memory_space<hbm>>
    tpu.enqueue_dma source(%dma_start3A_23 : memref<64x256xf32, #tpu.memory_space<hbm>>) target(%dma_start3A_21 : memref<64x256xf32, #tpu.memory_space<vmem>>) target_semaphore(%dma_start3A_17 : memref<!tpu.dma_semaphore, #tpu.memory_space<semaphore_mem>>)
    %add3A_24 = arith.constant 1024 : i32
    %add3A_25 = arith.addi %mul3A_4, %add3A_24 : i32
    %dma_start3A_26 = arith.constant 0 : i32
    %dma_start3A_27 = arith.constant 0 : i32
    %dma_start3A_28 = tpu.memref_slice %arg10[%dma_start3A_27] : memref<2x!tpu.dma_semaphore, #tpu.memory_space<semaphore_mem>> -> memref<1x!tpu.dma_semaphore, #tpu.memory_space<semaphore_mem>>
    %dma_start3A_29 = tpu.memref_squeeze %dma_start3A_28 : memref<1x!tpu.dma_semaphore, #tpu.memory_space<semaphore_mem>> -> memref<!tpu.dma_semaphore, #tpu.memory_space<semaphore_mem>>
    %dma_start3A_30 = arith.constant 0 : i32
    %dma_start3A_31 = arith.constant 0 : i32
    %dma_start3A_32 = tpu.memref_slice %arg7[%arg1, %dma_start3A_26, %dma_start3A_30, %dma_start3A_31] : memref<16x2x64x256xf32, #tpu.memory_space<vmem_shared>> -> memref<1x1x64x256xf32, #tpu.memory_space<vmem_shared>>
    %dma_start3A_33 = tpu.memref_squeeze %dma_start3A_32 : memref<1x1x64x256xf32, #tpu.memory_space<vmem_shared>> -> memref<64x256xf32, #tpu.memory_space<vmem_shared>>
    %dma_start3A_34 = arith.constant 0 : i32
    %dma_start3A_35 = tpu.memref_slice %arg2[%add3A_25, %dma_start3A_34] : memref<262144x256xf32, #tpu.memory_space<hbm>> -> memref<64x256xf32, #tpu.memory_space<hbm>>
    tpu.enqueue_dma source(%dma_start3A_35 : memref<64x256xf32, #tpu.memory_space<hbm>>) target(%dma_start3A_33 : memref<64x256xf32, #tpu.memory_space<vmem_shared>>) target_semaphore(%dma_start3A_29 : memref<!tpu.dma_semaphore, #tpu.memory_space<semaphore_mem>>)
    %add3A_36 = arith.constant 64 : i32
    %add3A_37 = arith.addi %mul3A_4, %add3A_36 : i32
    %dma_start3A_38 = arith.constant 1 : i32
    %dma_start3A_39 = arith.constant 1 : i32
    %dma_start3A_40 = arith.constant 0 : i32
    %dma_start3A_41 = arith.constant 0 : i32
    %dma_start3A_42 = tpu.memref_slice %arg6[%dma_start3A_38, %dma_start3A_40, %dma_start3A_41] : memref<2x64x256xf32, #tpu.memory_space<vmem>> -> memref<1x64x256xf32, #tpu.memory_space<vmem>>
    %dma_start3A_43 = tpu.memref_squeeze %dma_start3A_42 : memref<1x64x256xf32, #tpu.memory_space<vmem>> -> memref<64x256xf32, #tpu.memory_space<vmem>>
    %dma_start3A_44 = arith.constant 0 : i32
    %dma_start3A_45 = tpu.memref_slice %arg2[%add3A_37, %dma_start3A_44] : memref<262144x256xf32, #tpu.memory_space<hbm>> -> memref<64x256xf32, #tpu.memory_space<hbm>>
    %dma_start3A_46 = tpu.memref_slice %arg8[%dma_start3A_39] : memref<2x!tpu.dma_semaphore, #tpu.memory_space<semaphore_mem>> -> memref<1x!tpu.dma_semaphore, #tpu.memory_space<semaphore_mem>>
    %dma_start3A_47 = tpu.memref_squeeze %dma_start3A_46 : memref<1x!tpu.dma_semaphore, #tpu.memory_space<semaphore_mem>> -> memref<!tpu.dma_semaphore, #tpu.memory_space<semaphore_mem>>
    %dma_start3A_48 = arith.constant 0 : i32
    %dma_start3A_49 = arith.constant 0 : i32
    %dma_start3A_50 = tpu.memref_slice %arg6[%dma_start3A_38, %dma_start3A_48, %dma_start3A_49] : memref<2x64x256xf32, #tpu.memory_space<vmem>> -> memref<1x64x256xf32, #tpu.memory_space<vmem>>
    %dma_start3A_51 = tpu.memref_squeeze %dma_start3A_50 : memref<1x64x256xf32, #tpu.memory_space<vmem>> -> memref<64x256xf32, #tpu.memory_space<vmem>>
    %dma_start3A_52 = arith.constant 0 : i32
    %dma_start3A_53 = tpu.memref_slice %arg2[%add3A_37, %dma_start3A_52] : memref<262144x256xf32, #tpu.memory_space<hbm>> -> memref<64x256xf32, #tpu.memory_space<hbm>>
    tpu.enqueue_dma source(%dma_start3A_53 : memref<64x256xf32, #tpu.memory_space<hbm>>) target(%dma_start3A_51 : memref<64x256xf32, #tpu.memory_space<vmem>>) target_semaphore(%dma_start3A_47 : memref<!tpu.dma_semaphore, #tpu.memory_space<semaphore_mem>>)
    %add3A_54 = arith.constant 1088 : i32
    %add3A_55 = arith.addi %mul3A_4, %add3A_54 : i32
    %dma_start3A_56 = arith.constant 1 : i32
    %dma_start3A_57 = arith.constant 1 : i32
    %dma_start3A_58 = tpu.memref_slice %arg10[%dma_start3A_57] : memref<2x!tpu.dma_semaphore, #tpu.memory_space<semaphore_mem>> -> memref<1x!tpu.dma_semaphore, #tpu.memory_space<semaphore_mem>>
    %dma_start3A_59 = tpu.memref_squeeze %dma_start3A_58 : memref<1x!tpu.dma_semaphore, #tpu.memory_space<semaphore_mem>> -> memref<!tpu.dma_semaphore, #tpu.memory_space<semaphore_mem>>
    %dma_start3A_60 = arith.constant 0 : i32
    %dma_start3A_61 = arith.constant 0 : i32
    %dma_start3A_62 = tpu.memref_slice %arg7[%arg1, %dma_start3A_56, %dma_start3A_60, %dma_start3A_61] : memref<16x2x64x256xf32, #tpu.memory_space<vmem_shared>> -> memref<1x1x64x256xf32, #tpu.memory_space<vmem_shared>>
    %dma_start3A_63 = tpu.memref_squeeze %dma_start3A_62 : memref<1x1x64x256xf32, #tpu.memory_space<vmem_shared>> -> memref<64x256xf32, #tpu.memory_space<vmem_shared>>
    %dma_start3A_64 = arith.constant 0 : i32
    %dma_start3A_65 = tpu.memref_slice %arg2[%add3A_55, %dma_start3A_64] : memref<262144x256xf32, #tpu.memory_space<hbm>> -> memref<64x256xf32, #tpu.memory_space<hbm>>
    tpu.enqueue_dma source(%dma_start3A_65 : memref<64x256xf32, #tpu.memory_space<hbm>>) target(%dma_start3A_63 : memref<64x256xf32, #tpu.memory_space<vmem_shared>>) target_semaphore(%dma_start3A_59 : memref<!tpu.dma_semaphore, #tpu.memory_space<semaphore_mem>>)
    %scan3A = arith.constant 0 : i32
    %scan3A_66 = arith.constant 7 : i32
    %scan3A_67 = arith.addi %scan3A, %scan3A_66 : i32
    %scan3A_68 = arith.constant 1 : i32
    scf.for %scan3A_249 = %scan3A to %scan3A_67 step %scan3A_68  : i32 {
      %mul3A_250 = arith.constant 2 : i32
      %mul3A_251 = arith.muli %scan3A_249, %mul3A_250 : i32
      %add3A_252 = arith.constant 0 : i32
      %add3A_253 = arith.addi %mul3A_251, %add3A_252 : i32
      %mul3A_254 = arith.constant 64 : i32
      %mul3A_255 = arith.muli %add3A_253, %mul3A_254 : i32
      %add3A_256 = arith.addi %mul3A_4, %mul3A_255 : i32
      %dma_wait3A_257 = arith.constant 0 : i32
      %dma_wait3A_258 = arith.constant 0 : i32
      %dma_wait3A_259 = arith.constant 0 : i32
      %dma_wait3A_260 = arith.constant 0 : i32
      %dma_wait3A_261 = tpu.memref_slice %arg6[%dma_wait3A_257, %dma_wait3A_259, %dma_wait3A_260] : memref<2x64x256xf32, #tpu.memory_space<vmem>> -> memref<1x64x256xf32, #tpu.memory_space<vmem>>
      %dma_wait3A_262 = tpu.memref_squeeze %dma_wait3A_261 : memref<1x64x256xf32, #tpu.memory_space<vmem>> -> memref<64x256xf32, #tpu.memory_space<vmem>>
      %dma_wait3A_263 = arith.constant 0 : i32
      %dma_wait3A_264 = tpu.memref_slice %arg2[%add3A_256, %dma_wait3A_263] : memref<262144x256xf32, #tpu.memory_space<hbm>> -> memref<64x256xf32, #tpu.memory_space<hbm>>
      %dma_wait3A_265 = tpu.memref_slice %arg8[%dma_wait3A_258] : memref<2x!tpu.dma_semaphore, #tpu.memory_space<semaphore_mem>> -> memref<1x!tpu.dma_semaphore, #tpu.memory_space<semaphore_mem>>
      %dma_wait3A_266 = tpu.memref_squeeze %dma_wait3A_265 : memref<1x!tpu.dma_semaphore, #tpu.memory_space<semaphore_mem>> -> memref<!tpu.dma_semaphore, #tpu.memory_space<semaphore_mem>>
      %dma_wait3A_267 = arith.constant 0 : i32
      %dma_wait3A_268 = arith.constant 0 : i32
      %dma_wait3A_269 = tpu.memref_slice %arg6[%dma_wait3A_257, %dma_wait3A_267, %dma_wait3A_268] : memref<2x64x256xf32, #tpu.memory_space<vmem>> -> memref<1x64x256xf32, #tpu.memory_space<vmem>>
      %dma_wait3A_270 = tpu.memref_squeeze %dma_wait3A_269 : memref<1x64x256xf32, #tpu.memory_space<vmem>> -> memref<64x256xf32, #tpu.memory_space<vmem>>
      %dma_wait3A_271 = arith.constant 0 : i32
      %dma_wait3A_272 = tpu.memref_slice %arg2[%add3A_256, %dma_wait3A_271] : memref<262144x256xf32, #tpu.memory_space<hbm>> -> memref<64x256xf32, #tpu.memory_space<hbm>>
      tpu.wait_dma2 semaphore(%dma_wait3A_266 : memref<!tpu.dma_semaphore, #tpu.memory_space<semaphore_mem>>) src(%dma_wait3A_272 : memref<64x256xf32, #tpu.memory_space<hbm>>) dst(%dma_wait3A_270 : memref<64x256xf32, #tpu.memory_space<vmem>>)
      %add3A_273 = arith.constant 0 : i32
      %add3A_274 = arith.addi %mul3A_251, %add3A_273 : i32
      %mul3A_275 = arith.constant 64 : i32
      %mul3A_276 = arith.muli %add3A_274, %mul3A_275 : i32
      %add3A_277 = arith.addi %mul3A_6, %mul3A_276 : i32
      %dma_start3A_278 = arith.constant 0 : i32
      %dma_start3A_279 = arith.constant 0 : i32
      %dma_start3A_280 = arith.constant 0 : i32
      %dma_start3A_281 = arith.constant 0 : i32
      %dma_start3A_282 = tpu.memref_slice %arg6[%dma_start3A_278, %dma_start3A_280, %dma_start3A_281] : memref<2x64x256xf32, #tpu.memory_space<vmem>> -> memref<1x64x256xf32, #tpu.memory_space<vmem>>
      %dma_start3A_283 = tpu.memref_squeeze %dma_start3A_282 : memref<1x64x256xf32, #tpu.memory_space<vmem>> -> memref<64x256xf32, #tpu.memory_space<vmem>>
      %dma_start3A_284 = arith.constant 0 : i32
      %dma_start3A_285 = tpu.memref_slice %arg4[%add3A_277, %dma_start3A_284] : memref<65536x256xf32, #tpu.memory_space<hbm>> -> memref<64x256xf32, #tpu.memory_space<hbm>>
      %dma_start3A_286 = tpu.memref_slice %arg9[%dma_start3A_279] : memref<2x!tpu.dma_semaphore, #tpu.memory_space<semaphore_mem>> -> memref<1x!tpu.dma_semaphore, #tpu.memory_space<semaphore_mem>>
      %dma_start3A_287 = tpu.memref_squeeze %dma_start3A_286 : memref<1x!tpu.dma_semaphore, #tpu.memory_space<semaphore_mem>> -> memref<!tpu.dma_semaphore, #tpu.memory_space<semaphore_mem>>
      %dma_start3A_288 = arith.constant 0 : i32
      %dma_start3A_289 = tpu.memref_slice %arg4[%add3A_277, %dma_start3A_288] : memref<65536x256xf32, #tpu.memory_space<hbm>> -> memref<64x256xf32, #tpu.memory_space<hbm>>
      %dma_start3A_290 = arith.constant 0 : i32
      %dma_start3A_291 = arith.constant 0 : i32
      %dma_start3A_292 = tpu.memref_slice %arg6[%dma_start3A_278, %dma_start3A_290, %dma_start3A_291] : memref<2x64x256xf32, #tpu.memory_space<vmem>> -> memref<1x64x256xf32, #tpu.memory_space<vmem>>
      %dma_start3A_293 = tpu.memref_squeeze %dma_start3A_292 : memref<1x64x256xf32, #tpu.memory_space<vmem>> -> memref<64x256xf32, #tpu.memory_space<vmem>>
      tpu.enqueue_dma source(%dma_start3A_293 : memref<64x256xf32, #tpu.memory_space<vmem>>) target(%dma_start3A_289 : memref<64x256xf32, #tpu.memory_space<hbm>>) target_semaphore(%dma_start3A_287 : memref<!tpu.dma_semaphore, #tpu.memory_space<semaphore_mem>>)
      %add3A_294 = arith.constant 0 : i32
      %add3A_295 = arith.addi %mul3A_251, %add3A_294 : i32
      %add3A_296 = arith.constant 16 : i32
      %add3A_297 = arith.addi %add3A_296, %add3A_295 : i32
      %mul3A_298 = arith.constant 64 : i32
      %mul3A_299 = arith.muli %add3A_297, %mul3A_298 : i32
      %add3A_300 = arith.addi %mul3A_4, %mul3A_299 : i32
      %dma_wait3A_301 = arith.constant 0 : i32
      %dma_wait3A_302 = arith.constant 0 : i32
      %dma_wait3A_303 = tpu.memref_slice %arg10[%dma_wait3A_302] : memref<2x!tpu.dma_semaphore, #tpu.memory_space<semaphore_mem>> -> memref<1x!tpu.dma_semaphore, #tpu.memory_space<semaphore_mem>>
      %dma_wait3A_304 = tpu.memref_squeeze %dma_wait3A_303 : memref<1x!tpu.dma_semaphore, #tpu.memory_space<semaphore_mem>> -> memref<!tpu.dma_semaphore, #tpu.memory_space<semaphore_mem>>
      %dma_wait3A_305 = arith.constant 0 : i32
      %dma_wait3A_306 = arith.constant 0 : i32
      %dma_wait3A_307 = tpu.memref_slice %arg7[%arg1, %dma_wait3A_301, %dma_wait3A_305, %dma_wait3A_306] : memref<16x2x64x256xf32, #tpu.memory_space<vmem_shared>> -> memref<1x1x64x256xf32, #tpu.memory_space<vmem_shared>>
      %dma_wait3A_308 = tpu.memref_squeeze %dma_wait3A_307 : memref<1x1x64x256xf32, #tpu.memory_space<vmem_shared>> -> memref<64x256xf32, #tpu.memory_space<vmem_shared>>
      %dma_wait3A_309 = arith.constant 0 : i32
      %dma_wait3A_310 = tpu.memref_slice %arg2[%add3A_300, %dma_wait3A_309] : memref<262144x256xf32, #tpu.memory_space<hbm>> -> memref<64x256xf32, #tpu.memory_space<hbm>>
      tpu.wait_dma2 semaphore(%dma_wait3A_304 : memref<!tpu.dma_semaphore, #tpu.memory_space<semaphore_mem>>) src(%dma_wait3A_310 : memref<64x256xf32, #tpu.memory_space<hbm>>) dst(%dma_wait3A_308 : memref<64x256xf32, #tpu.memory_space<vmem_shared>>)
      %add3A_311 = arith.constant 0 : i32
      %add3A_312 = arith.addi %mul3A_251, %add3A_311 : i32
      %add3A_313 = arith.constant 16 : i32
      %add3A_314 = arith.addi %add3A_313, %add3A_312 : i32
      %mul3A_315 = arith.constant 64 : i32
      %mul3A_316 = arith.muli %add3A_314, %mul3A_315 : i32
      %add3A_317 = arith.addi %mul3A_6, %mul3A_316 : i32
      %dma_start3A_318 = arith.constant 0 : i32
      %dma_start3A_319 = arith.constant 0 : i32
      %dma_start3A_320 = tpu.memref_slice %arg11[%dma_start3A_319] : memref<2x!tpu.dma_semaphore, #tpu.memory_space<semaphore_mem>> -> memref<1x!tpu.dma_semaphore, #tpu.memory_space<semaphore_mem>>
      %dma_start3A_321 = tpu.memref_squeeze %dma_start3A_320 : memref<1x!tpu.dma_semaphore, #tpu.memory_space<semaphore_mem>> -> memref<!tpu.dma_semaphore, #tpu.memory_space<semaphore_mem>>
      %dma_start3A_322 = arith.constant 0 : i32
      %dma_start3A_323 = tpu.memref_slice %arg4[%add3A_317, %dma_start3A_322] : memref<65536x256xf32, #tpu.memory_space<hbm>> -> memref<64x256xf32, #tpu.memory_space<hbm>>
      %dma_start3A_324 = arith.constant 0 : i32
      %dma_start3A_325 = arith.constant 0 : i32
      %dma_start3A_326 = tpu.memref_slice %arg7[%arg1, %dma_start3A_318, %dma_start3A_324, %dma_start3A_325] : memref<16x2x64x256xf32, #tpu.memory_space<vmem_shared>> -> memref<1x1x64x256xf32, #tpu.memory_space<vmem_shared>>
      %dma_start3A_327 = tpu.memref_squeeze %dma_start3A_326 : memref<1x1x64x256xf32, #tpu.memory_space<vmem_shared>> -> memref<64x256xf32, #tpu.memory_space<vmem_shared>>
      tpu.enqueue_dma source(%dma_start3A_327 : memref<64x256xf32, #tpu.memory_space<vmem_shared>>) target(%dma_start3A_323 : memref<64x256xf32, #tpu.memory_space<hbm>>) target_semaphore(%dma_start3A_321 : memref<!tpu.dma_semaphore, #tpu.memory_space<semaphore_mem>>)
      %add3A_328 = arith.constant 1 : i32
      %add3A_329 = arith.addi %mul3A_251, %add3A_328 : i32
      %mul3A_330 = arith.constant 64 : i32
      %mul3A_331 = arith.muli %add3A_329, %mul3A_330 : i32
      %add3A_332 = arith.addi %mul3A_4, %mul3A_331 : i32
      %dma_wait3A_333 = arith.constant 1 : i32
      %dma_wait3A_334 = arith.constant 1 : i32
      %dma_wait3A_335 = arith.constant 0 : i32
      %dma_wait3A_336 = arith.constant 0 : i32
      %dma_wait3A_337 = tpu.memref_slice %arg6[%dma_wait3A_333, %dma_wait3A_335, %dma_wait3A_336] : memref<2x64x256xf32, #tpu.memory_space<vmem>> -> memref<1x64x256xf32, #tpu.memory_space<vmem>>
      %dma_wait3A_338 = tpu.memref_squeeze %dma_wait3A_337 : memref<1x64x256xf32, #tpu.memory_space<vmem>> -> memref<64x256xf32, #tpu.memory_space<vmem>>
      %dma_wait3A_339 = arith.constant 0 : i32
      %dma_wait3A_340 = tpu.memref_slice %arg2[%add3A_332, %dma_wait3A_339] : memref<262144x256xf32, #tpu.memory_space<hbm>> -> memref<64x256xf32, #tpu.memory_space<hbm>>
      %dma_wait3A_341 = tpu.memref_slice %arg8[%dma_wait3A_334] : memref<2x!tpu.dma_semaphore, #tpu.memory_space<semaphore_mem>> -> memref<1x!tpu.dma_semaphore, #tpu.memory_space<semaphore_mem>>
      %dma_wait3A_342 = tpu.memref_squeeze %dma_wait3A_341 : memref<1x!tpu.dma_semaphore, #tpu.memory_space<semaphore_mem>> -> memref<!tpu.dma_semaphore, #tpu.memory_space<semaphore_mem>>
      %dma_wait3A_343 = arith.constant 0 : i32
      %dma_wait3A_344 = arith.constant 0 : i32
      %dma_wait3A_345 = tpu.memref_slice %arg6[%dma_wait3A_333, %dma_wait3A_343, %dma_wait3A_344] : memref<2x64x256xf32, #tpu.memory_space<vmem>> -> memref<1x64x256xf32, #tpu.memory_space<vmem>>
      %dma_wait3A_346 = tpu.memref_squeeze %dma_wait3A_345 : memref<1x64x256xf32, #tpu.memory_space<vmem>> -> memref<64x256xf32, #tpu.memory_space<vmem>>
      %dma_wait3A_347 = arith.constant 0 : i32
      %dma_wait3A_348 = tpu.memref_slice %arg2[%add3A_332, %dma_wait3A_347] : memref<262144x256xf32, #tpu.memory_space<hbm>> -> memref<64x256xf32, #tpu.memory_space<hbm>>
      tpu.wait_dma2 semaphore(%dma_wait3A_342 : memref<!tpu.dma_semaphore, #tpu.memory_space<semaphore_mem>>) src(%dma_wait3A_348 : memref<64x256xf32, #tpu.memory_space<hbm>>) dst(%dma_wait3A_346 : memref<64x256xf32, #tpu.memory_space<vmem>>)
      %add3A_349 = arith.constant 1 : i32
      %add3A_350 = arith.addi %mul3A_251, %add3A_349 : i32
      %mul3A_351 = arith.constant 64 : i32
      %mul3A_352 = arith.muli %add3A_350, %mul3A_351 : i32
      %add3A_353 = arith.addi %mul3A_6, %mul3A_352 : i32
      %dma_start3A_354 = arith.constant 1 : i32
      %dma_start3A_355 = arith.constant 1 : i32
      %dma_start3A_356 = arith.constant 0 : i32
      %dma_start3A_357 = arith.constant 0 : i32
      %dma_start3A_358 = tpu.memref_slice %arg6[%dma_start3A_354, %dma_start3A_356, %dma_start3A_357] : memref<2x64x256xf32, #tpu.memory_space<vmem>> -> memref<1x64x256xf32, #tpu.memory_space<vmem>>
      %dma_start3A_359 = tpu.memref_squeeze %dma_start3A_358 : memref<1x64x256xf32, #tpu.memory_space<vmem>> -> memref<64x256xf32, #tpu.memory_space<vmem>>
      %dma_start3A_360 = arith.constant 0 : i32
      %dma_start3A_361 = tpu.memref_slice %arg4[%add3A_353, %dma_start3A_360] : memref<65536x256xf32, #tpu.memory_space<hbm>> -> memref<64x256xf32, #tpu.memory_space<hbm>>
      %dma_start3A_362 = tpu.memref_slice %arg9[%dma_start3A_355] : memref<2x!tpu.dma_semaphore, #tpu.memory_space<semaphore_mem>> -> memref<1x!tpu.dma_semaphore, #tpu.memory_space<semaphore_mem>>
      %dma_start3A_363 = tpu.memref_squeeze %dma_start3A_362 : memref<1x!tpu.dma_semaphore, #tpu.memory_space<semaphore_mem>> -> memref<!tpu.dma_semaphore, #tpu.memory_space<semaphore_mem>>
      %dma_start3A_364 = arith.constant 0 : i32
      %dma_start3A_365 = tpu.memref_slice %arg4[%add3A_353, %dma_start3A_364] : memref<65536x256xf32, #tpu.memory_space<hbm>> -> memref<64x256xf32, #tpu.memory_space<hbm>>
      %dma_start3A_366 = arith.constant 0 : i32
      %dma_start3A_367 = arith.constant 0 : i32
      %dma_start3A_368 = tpu.memref_slice %arg6[%dma_start3A_354, %dma_start3A_366, %dma_start3A_367] : memref<2x64x256xf32, #tpu.memory_space<vmem>> -> memref<1x64x256xf32, #tpu.memory_space<vmem>>
      %dma_start3A_369 = tpu.memref_squeeze %dma_start3A_368 : memref<1x64x256xf32, #tpu.memory_space<vmem>> -> memref<64x256xf32, #tpu.memory_space<vmem>>
      tpu.enqueue_dma source(%dma_start3A_369 : memref<64x256xf32, #tpu.memory_space<vmem>>) target(%dma_start3A_365 : memref<64x256xf32, #tpu.memory_space<hbm>>) target_semaphore(%dma_start3A_363 : memref<!tpu.dma_semaphore, #tpu.memory_space<semaphore_mem>>)
      %add3A_370 = arith.constant 1 : i32
      %add3A_371 = arith.addi %mul3A_251, %add3A_370 : i32
      %add3A_372 = arith.constant 16 : i32
      %add3A_373 = arith.addi %add3A_372, %add3A_371 : i32
      %mul3A_374 = arith.constant 64 : i32
      %mul3A_375 = arith.muli %add3A_373, %mul3A_374 : i32
      %add3A_376 = arith.addi %mul3A_4, %mul3A_375 : i32
      %dma_wait3A_377 = arith.constant 1 : i32
      %dma_wait3A_378 = arith.constant 1 : i32
      %dma_wait3A_379 = tpu.memref_slice %arg10[%dma_wait3A_378] : memref<2x!tpu.dma_semaphore, #tpu.memory_space<semaphore_mem>> -> memref<1x!tpu.dma_semaphore, #tpu.memory_space<semaphore_mem>>
      %dma_wait3A_380 = tpu.memref_squeeze %dma_wait3A_379 : memref<1x!tpu.dma_semaphore, #tpu.memory_space<semaphore_mem>> -> memref<!tpu.dma_semaphore, #tpu.memory_space<semaphore_mem>>
      %dma_wait3A_381 = arith.constant 0 : i32
      %dma_wait3A_382 = arith.constant 0 : i32
      %dma_wait3A_383 = tpu.memref_slice %arg7[%arg1, %dma_wait3A_377, %dma_wait3A_381, %dma_wait3A_382] : memref<16x2x64x256xf32, #tpu.memory_space<vmem_shared>> -> memref<1x1x64x256xf32, #tpu.memory_space<vmem_shared>>
      %dma_wait3A_384 = tpu.memref_squeeze %dma_wait3A_383 : memref<1x1x64x256xf32, #tpu.memory_space<vmem_shared>> -> memref<64x256xf32, #tpu.memory_space<vmem_shared>>
      %dma_wait3A_385 = arith.constant 0 : i32
      %dma_wait3A_386 = tpu.memref_slice %arg2[%add3A_376, %dma_wait3A_385] : memref<262144x256xf32, #tpu.memory_space<hbm>> -> memref<64x256xf32, #tpu.memory_space<hbm>>
      tpu.wait_dma2 semaphore(%dma_wait3A_380 : memref<!tpu.dma_semaphore, #tpu.memory_space<semaphore_mem>>) src(%dma_wait3A_386 : memref<64x256xf32, #tpu.memory_space<hbm>>) dst(%dma_wait3A_384 : memref<64x256xf32, #tpu.memory_space<vmem_shared>>)
      %add3A_387 = arith.constant 1 : i32
      %add3A_388 = arith.addi %mul3A_251, %add3A_387 : i32
      %add3A_389 = arith.constant 16 : i32
      %add3A_390 = arith.addi %add3A_389, %add3A_388 : i32
      %mul3A_391 = arith.constant 64 : i32
      %mul3A_392 = arith.muli %add3A_390, %mul3A_391 : i32
      %add3A_393 = arith.addi %mul3A_6, %mul3A_392 : i32
      %dma_start3A_394 = arith.constant 1 : i32
      %dma_start3A_395 = arith.constant 1 : i32
      %dma_start3A_396 = tpu.memref_slice %arg11[%dma_start3A_395] : memref<2x!tpu.dma_semaphore, #tpu.memory_space<semaphore_mem>> -> memref<1x!tpu.dma_semaphore, #tpu.memory_space<semaphore_mem>>
      %dma_start3A_397 = tpu.memref_squeeze %dma_start3A_396 : memref<1x!tpu.dma_semaphore, #tpu.memory_space<semaphore_mem>> -> memref<!tpu.dma_semaphore, #tpu.memory_space<semaphore_mem>>
      %dma_start3A_398 = arith.constant 0 : i32
      %dma_start3A_399 = tpu.memref_slice %arg4[%add3A_393, %dma_start3A_398] : memref<65536x256xf32, #tpu.memory_space<hbm>> -> memref<64x256xf32, #tpu.memory_space<hbm>>
      %dma_start3A_400 = arith.constant 0 : i32
      %dma_start3A_401 = arith.constant 0 : i32
      %dma_start3A_402 = tpu.memref_slice %arg7[%arg1, %dma_start3A_394, %dma_start3A_400, %dma_start3A_401] : memref<16x2x64x256xf32, #tpu.memory_space<vmem_shared>> -> memref<1x1x64x256xf32, #tpu.memory_space<vmem_shared>>
      %dma_start3A_403 = tpu.memref_squeeze %dma_start3A_402 : memref<1x1x64x256xf32, #tpu.memory_space<vmem_shared>> -> memref<64x256xf32, #tpu.memory_space<vmem_shared>>
      tpu.enqueue_dma source(%dma_start3A_403 : memref<64x256xf32, #tpu.memory_space<vmem_shared>>) target(%dma_start3A_399 : memref<64x256xf32, #tpu.memory_space<hbm>>) target_semaphore(%dma_start3A_397 : memref<!tpu.dma_semaphore, #tpu.memory_space<semaphore_mem>>)
      %add3A_404 = arith.constant 0 : i32
      %add3A_405 = arith.addi %mul3A_251, %add3A_404 : i32
      %mul3A_406 = arith.constant 64 : i32
      %mul3A_407 = arith.muli %add3A_405, %mul3A_406 : i32
      %add3A_408 = arith.addi %mul3A_6, %mul3A_407 : i32
      %dma_wait3A_409 = arith.constant 0 : i32
      %dma_wait3A_410 = arith.constant 0 : i32
      %dma_wait3A_411 = arith.constant 0 : i32
      %dma_wait3A_412 = arith.constant 0 : i32
      %dma_wait3A_413 = tpu.memref_slice %arg6[%dma_wait3A_409, %dma_wait3A_411, %dma_wait3A_412] : memref<2x64x256xf32, #tpu.memory_space<vmem>> -> memref<1x64x256xf32, #tpu.memory_space<vmem>>
      %dma_wait3A_414 = tpu.memref_squeeze %dma_wait3A_413 : memref<1x64x256xf32, #tpu.memory_space<vmem>> -> memref<64x256xf32, #tpu.memory_space<vmem>>
      %dma_wait3A_415 = arith.constant 0 : i32
      %dma_wait3A_416 = tpu.memref_slice %arg4[%add3A_408, %dma_wait3A_415] : memref<65536x256xf32, #tpu.memory_space<hbm>> -> memref<64x256xf32, #tpu.memory_space<hbm>>
      %dma_wait3A_417 = tpu.memref_slice %arg9[%dma_wait3A_410] : memref<2x!tpu.dma_semaphore, #tpu.memory_space<semaphore_mem>> -> memref<1x!tpu.dma_semaphore, #tpu.memory_space<semaphore_mem>>
      %dma_wait3A_418 = tpu.memref_squeeze %dma_wait3A_417 : memref<1x!tpu.dma_semaphore, #tpu.memory_space<semaphore_mem>> -> memref<!tpu.dma_semaphore, #tpu.memory_space<semaphore_mem>>
      %dma_wait3A_419 = arith.constant 0 : i32
      %dma_wait3A_420 = tpu.memref_slice %arg4[%add3A_408, %dma_wait3A_419] : memref<65536x256xf32, #tpu.memory_space<hbm>> -> memref<64x256xf32, #tpu.memory_space<hbm>>
      %dma_wait3A_421 = arith.constant 0 : i32
      %dma_wait3A_422 = arith.constant 0 : i32
      %dma_wait3A_423 = tpu.memref_slice %arg6[%dma_wait3A_409, %dma_wait3A_421, %dma_wait3A_422] : memref<2x64x256xf32, #tpu.memory_space<vmem>> -> memref<1x64x256xf32, #tpu.memory_space<vmem>>
      %dma_wait3A_424 = tpu.memref_squeeze %dma_wait3A_423 : memref<1x64x256xf32, #tpu.memory_space<vmem>> -> memref<64x256xf32, #tpu.memory_space<vmem>>
      tpu.wait_dma2 semaphore(%dma_wait3A_418 : memref<!tpu.dma_semaphore, #tpu.memory_space<semaphore_mem>>) src(%dma_wait3A_424 : memref<64x256xf32, #tpu.memory_space<vmem>>) dst(%dma_wait3A_420 : memref<64x256xf32, #tpu.memory_space<hbm>>)
      %add3A_425 = arith.constant 0 : i32
      %add3A_426 = arith.addi %mul3A_251, %add3A_425 : i32
      %add3A_427 = arith.constant 2 : i32
      %add3A_428 = arith.addi %add3A_426, %add3A_427 : i32
      %mul3A_429 = arith.constant 64 : i32
      %mul3A_430 = arith.muli %add3A_428, %mul3A_429 : i32
      %add3A_431 = arith.addi %mul3A_4, %mul3A_430 : i32
      %dma_start3A_432 = arith.constant 0 : i32
      %dma_start3A_433 = arith.constant 0 : i32
      %dma_start3A_434 = arith.constant 0 : i32
      %dma_start3A_435 = arith.constant 0 : i32
      %dma_start3A_436 = tpu.memref_slice %arg6[%dma_start3A_432, %dma_start3A_434, %dma_start3A_435] : memref<2x64x256xf32, #tpu.memory_space<vmem>> -> memref<1x64x256xf32, #tpu.memory_space<vmem>>
      %dma_start3A_437 = tpu.memref_squeeze %dma_start3A_436 : memref<1x64x256xf32, #tpu.memory_space<vmem>> -> memref<64x256xf32, #tpu.memory_space<vmem>>
      %dma_start3A_438 = arith.constant 0 : i32
      %dma_start3A_439 = tpu.memref_slice %arg2[%add3A_431, %dma_start3A_438] : memref<262144x256xf32, #tpu.memory_space<hbm>> -> memref<64x256xf32, #tpu.memory_space<hbm>>
      %dma_start3A_440 = tpu.memref_slice %arg8[%dma_start3A_433] : memref<2x!tpu.dma_semaphore, #tpu.memory_space<semaphore_mem>> -> memref<1x!tpu.dma_semaphore, #tpu.memory_space<semaphore_mem>>
      %dma_start3A_441 = tpu.memref_squeeze %dma_start3A_440 : memref<1x!tpu.dma_semaphore, #tpu.memory_space<semaphore_mem>> -> memref<!tpu.dma_semaphore, #tpu.memory_space<semaphore_mem>>
      %dma_start3A_442 = arith.constant 0 : i32
      %dma_start3A_443 = arith.constant 0 : i32
      %dma_start3A_444 = tpu.memref_slice %arg6[%dma_start3A_432, %dma_start3A_442, %dma_start3A_443] : memref<2x64x256xf32, #tpu.memory_space<vmem>> -> memref<1x64x256xf32, #tpu.memory_space<vmem>>
      %dma_start3A_445 = tpu.memref_squeeze %dma_start3A_444 : memref<1x64x256xf32, #tpu.memory_space<vmem>> -> memref<64x256xf32, #tpu.memory_space<vmem>>
      %dma_start3A_446 = arith.constant 0 : i32
      %dma_start3A_447 = tpu.memref_slice %arg2[%add3A_431, %dma_start3A_446] : memref<262144x256xf32, #tpu.memory_space<hbm>> -> memref<64x256xf32, #tpu.memory_space<hbm>>
      tpu.enqueue_dma source(%dma_start3A_447 : memref<64x256xf32, #tpu.memory_space<hbm>>) target(%dma_start3A_445 : memref<64x256xf32, #tpu.memory_space<vmem>>) target_semaphore(%dma_start3A_441 : memref<!tpu.dma_semaphore, #tpu.memory_space<semaphore_mem>>)
      %add3A_448 = arith.constant 0 : i32
      %add3A_449 = arith.addi %mul3A_251, %add3A_448 : i32
      %add3A_450 = arith.constant 16 : i32
      %add3A_451 = arith.addi %add3A_450, %add3A_449 : i32
      %mul3A_452 = arith.constant 64 : i32
      %mul3A_453 = arith.muli %add3A_451, %mul3A_452 : i32
      %add3A_454 = arith.addi %mul3A_6, %mul3A_453 : i32
      %dma_wait3A_455 = arith.constant 0 : i32
      %dma_wait3A_456 = arith.constant 0 : i32
      %dma_wait3A_457 = tpu.memref_slice %arg11[%dma_wait3A_456] : memref<2x!tpu.dma_semaphore, #tpu.memory_space<semaphore_mem>> -> memref<1x!tpu.dma_semaphore, #tpu.memory_space<semaphore_mem>>
      %dma_wait3A_458 = tpu.memref_squeeze %dma_wait3A_457 : memref<1x!tpu.dma_semaphore, #tpu.memory_space<semaphore_mem>> -> memref<!tpu.dma_semaphore, #tpu.memory_space<semaphore_mem>>
      %dma_wait3A_459 = arith.constant 0 : i32
      %dma_wait3A_460 = tpu.memref_slice %arg4[%add3A_454, %dma_wait3A_459] : memref<65536x256xf32, #tpu.memory_space<hbm>> -> memref<64x256xf32, #tpu.memory_space<hbm>>
      %dma_wait3A_461 = arith.constant 0 : i32
      %dma_wait3A_462 = arith.constant 0 : i32
      %dma_wait3A_463 = tpu.memref_slice %arg7[%arg1, %dma_wait3A_455, %dma_wait3A_461, %dma_wait3A_462] : memref<16x2x64x256xf32, #tpu.memory_space<vmem_shared>> -> memref<1x1x64x256xf32, #tpu.memory_space<vmem_shared>>
      %dma_wait3A_464 = tpu.memref_squeeze %dma_wait3A_463 : memref<1x1x64x256xf32, #tpu.memory_space<vmem_shared>> -> memref<64x256xf32, #tpu.memory_space<vmem_shared>>
      tpu.wait_dma2 semaphore(%dma_wait3A_458 : memref<!tpu.dma_semaphore, #tpu.memory_space<semaphore_mem>>) src(%dma_wait3A_464 : memref<64x256xf32, #tpu.memory_space<vmem_shared>>) dst(%dma_wait3A_460 : memref<64x256xf32, #tpu.memory_space<hbm>>)
      %add3A_465 = arith.constant 0 : i32
      %add3A_466 = arith.addi %mul3A_251, %add3A_465 : i32
      %add3A_467 = arith.constant 2 : i32
      %add3A_468 = arith.addi %add3A_466, %add3A_467 : i32
      %add3A_469 = arith.constant 16 : i32
      %add3A_470 = arith.addi %add3A_469, %add3A_468 : i32
      %mul3A_471 = arith.constant 64 : i32
      %mul3A_472 = arith.muli %add3A_470, %mul3A_471 : i32
      %add3A_473 = arith.addi %mul3A_4, %mul3A_472 : i32
      %dma_start3A_474 = arith.constant 0 : i32
      %dma_start3A_475 = arith.constant 0 : i32
      %dma_start3A_476 = tpu.memref_slice %arg10[%dma_start3A_475] : memref<2x!tpu.dma_semaphore, #tpu.memory_space<semaphore_mem>> -> memref<1x!tpu.dma_semaphore, #tpu.memory_space<semaphore_mem>>
      %dma_start3A_477 = tpu.memref_squeeze %dma_start3A_476 : memref<1x!tpu.dma_semaphore, #tpu.memory_space<semaphore_mem>> -> memref<!tpu.dma_semaphore, #tpu.memory_space<semaphore_mem>>
      %dma_start3A_478 = arith.constant 0 : i32
      %dma_start3A_479 = arith.constant 0 : i32
      %dma_start3A_480 = tpu.memref_slice %arg7[%arg1, %dma_start3A_474, %dma_start3A_478, %dma_start3A_479] : memref<16x2x64x256xf32, #tpu.memory_space<vmem_shared>> -> memref<1x1x64x256xf32, #tpu.memory_space<vmem_shared>>
      %dma_start3A_481 = tpu.memref_squeeze %dma_start3A_480 : memref<1x1x64x256xf32, #tpu.memory_space<vmem_shared>> -> memref<64x256xf32, #tpu.memory_space<vmem_shared>>
      %dma_start3A_482 = arith.constant 0 : i32
      %dma_start3A_483 = tpu.memref_slice %arg2[%add3A_473, %dma_start3A_482] : memref<262144x256xf32, #tpu.memory_space<hbm>> -> memref<64x256xf32, #tpu.memory_space<hbm>>
      tpu.enqueue_dma source(%dma_start3A_483 : memref<64x256xf32, #tpu.memory_space<hbm>>) target(%dma_start3A_481 : memref<64x256xf32, #tpu.memory_space<vmem_shared>>) target_semaphore(%dma_start3A_477 : memref<!tpu.dma_semaphore, #tpu.memory_space<semaphore_mem>>)
      %add3A_484 = arith.constant 1 : i32
      %add3A_485 = arith.addi %mul3A_251, %add3A_484 : i32
      %mul3A_486 = arith.constant 64 : i32
      %mul3A_487 = arith.muli %add3A_485, %mul3A_486 : i32
      %add3A_488 = arith.addi %mul3A_6, %mul3A_487 : i32
      %dma_wait3A_489 = arith.constant 1 : i32
      %dma_wait3A_490 = arith.constant 1 : i32
      %dma_wait3A_491 = arith.constant 0 : i32
      %dma_wait3A_492 = arith.constant 0 : i32
      %dma_wait3A_493 = tpu.memref_slice %arg6[%dma_wait3A_489, %dma_wait3A_491, %dma_wait3A_492] : memref<2x64x256xf32, #tpu.memory_space<vmem>> -> memref<1x64x256xf32, #tpu.memory_space<vmem>>
      %dma_wait3A_494 = tpu.memref_squeeze %dma_wait3A_493 : memref<1x64x256xf32, #tpu.memory_space<vmem>> -> memref<64x256xf32, #tpu.memory_space<vmem>>
      %dma_wait3A_495 = arith.constant 0 : i32
      %dma_wait3A_496 = tpu.memref_slice %arg4[%add3A_488, %dma_wait3A_495] : memref<65536x256xf32, #tpu.memory_space<hbm>> -> memref<64x256xf32, #tpu.memory_space<hbm>>
      %dma_wait3A_497 = tpu.memref_slice %arg9[%dma_wait3A_490] : memref<2x!tpu.dma_semaphore, #tpu.memory_space<semaphore_mem>> -> memref<1x!tpu.dma_semaphore, #tpu.memory_space<semaphore_mem>>
      %dma_wait3A_498 = tpu.memref_squeeze %dma_wait3A_497 : memref<1x!tpu.dma_semaphore, #tpu.memory_space<semaphore_mem>> -> memref<!tpu.dma_semaphore, #tpu.memory_space<semaphore_mem>>
      %dma_wait3A_499 = arith.constant 0 : i32
      %dma_wait3A_500 = tpu.memref_slice %arg4[%add3A_488, %dma_wait3A_499] : memref<65536x256xf32, #tpu.memory_space<hbm>> -> memref<64x256xf32, #tpu.memory_space<hbm>>
      %dma_wait3A_501 = arith.constant 0 : i32
      %dma_wait3A_502 = arith.constant 0 : i32
      %dma_wait3A_503 = tpu.memref_slice %arg6[%dma_wait3A_489, %dma_wait3A_501, %dma_wait3A_502] : memref<2x64x256xf32, #tpu.memory_space<vmem>> -> memref<1x64x256xf32, #tpu.memory_space<vmem>>
      %dma_wait3A_504 = tpu.memref_squeeze %dma_wait3A_503 : memref<1x64x256xf32, #tpu.memory_space<vmem>> -> memref<64x256xf32, #tpu.memory_space<vmem>>
      tpu.wait_dma2 semaphore(%dma_wait3A_498 : memref<!tpu.dma_semaphore, #tpu.memory_space<semaphore_mem>>) src(%dma_wait3A_504 : memref<64x256xf32, #tpu.memory_space<vmem>>) dst(%dma_wait3A_500 : memref<64x256xf32, #tpu.memory_space<hbm>>)
      %add3A_505 = arith.constant 1 : i32
      %add3A_506 = arith.addi %mul3A_251, %add3A_505 : i32
      %add3A_507 = arith.constant 2 : i32
      %add3A_508 = arith.addi %add3A_506, %add3A_507 : i32
      %mul3A_509 = arith.constant 64 : i32
      %mul3A_510 = arith.muli %add3A_508, %mul3A_509 : i32
      %add3A_511 = arith.addi %mul3A_4, %mul3A_510 : i32
      %dma_start3A_512 = arith.constant 1 : i32
      %dma_start3A_513 = arith.constant 1 : i32
      %dma_start3A_514 = arith.constant 0 : i32
      %dma_start3A_515 = arith.constant 0 : i32
      %dma_start3A_516 = tpu.memref_slice %arg6[%dma_start3A_512, %dma_start3A_514, %dma_start3A_515] : memref<2x64x256xf32, #tpu.memory_space<vmem>> -> memref<1x64x256xf32, #tpu.memory_space<vmem>>
      %dma_start3A_517 = tpu.memref_squeeze %dma_start3A_516 : memref<1x64x256xf32, #tpu.memory_space<vmem>> -> memref<64x256xf32, #tpu.memory_space<vmem>>
      %dma_start3A_518 = arith.constant 0 : i32
      %dma_start3A_519 = tpu.memref_slice %arg2[%add3A_511, %dma_start3A_518] : memref<262144x256xf32, #tpu.memory_space<hbm>> -> memref<64x256xf32, #tpu.memory_space<hbm>>
      %dma_start3A_520 = tpu.memref_slice %arg8[%dma_start3A_513] : memref<2x!tpu.dma_semaphore, #tpu.memory_space<semaphore_mem>> -> memref<1x!tpu.dma_semaphore, #tpu.memory_space<semaphore_mem>>
      %dma_start3A_521 = tpu.memref_squeeze %dma_start3A_520 : memref<1x!tpu.dma_semaphore, #tpu.memory_space<semaphore_mem>> -> memref<!tpu.dma_semaphore, #tpu.memory_space<semaphore_mem>>
      %dma_start3A_522 = arith.constant 0 : i32
      %dma_start3A_523 = arith.constant 0 : i32
      %dma_start3A_524 = tpu.memref_slice %arg6[%dma_start3A_512, %dma_start3A_522, %dma_start3A_523] : memref<2x64x256xf32, #tpu.memory_space<vmem>> -> memref<1x64x256xf32, #tpu.memory_space<vmem>>
      %dma_start3A_525 = tpu.memref_squeeze %dma_start3A_524 : memref<1x64x256xf32, #tpu.memory_space<vmem>> -> memref<64x256xf32, #tpu.memory_space<vmem>>
      %dma_start3A_526 = arith.constant 0 : i32
      %dma_start3A_527 = tpu.memref_slice %arg2[%add3A_511, %dma_start3A_526] : memref<262144x256xf32, #tpu.memory_space<hbm>> -> memref<64x256xf32, #tpu.memory_space<hbm>>
      tpu.enqueue_dma source(%dma_start3A_527 : memref<64x256xf32, #tpu.memory_space<hbm>>) target(%dma_start3A_525 : memref<64x256xf32, #tpu.memory_space<vmem>>) target_semaphore(%dma_start3A_521 : memref<!tpu.dma_semaphore, #tpu.memory_space<semaphore_mem>>)
      %add3A_528 = arith.constant 1 : i32
      %add3A_529 = arith.addi %mul3A_251, %add3A_528 : i32
      %add3A_530 = arith.constant 16 : i32
      %add3A_531 = arith.addi %add3A_530, %add3A_529 : i32
      %mul3A_532 = arith.constant 64 : i32
      %mul3A_533 = arith.muli %add3A_531, %mul3A_532 : i32
      %add3A_534 = arith.addi %mul3A_6, %mul3A_533 : i32
      %dma_wait3A_535 = arith.constant 1 : i32
      %dma_wait3A_536 = arith.constant 1 : i32
      %dma_wait3A_537 = tpu.memref_slice %arg11[%dma_wait3A_536] : memref<2x!tpu.dma_semaphore, #tpu.memory_space<semaphore_mem>> -> memref<1x!tpu.dma_semaphore, #tpu.memory_space<semaphore_mem>>
      %dma_wait3A_538 = tpu.memref_squeeze %dma_wait3A_537 : memref<1x!tpu.dma_semaphore, #tpu.memory_space<semaphore_mem>> -> memref<!tpu.dma_semaphore, #tpu.memory_space<semaphore_mem>>
      %dma_wait3A_539 = arith.constant 0 : i32
      %dma_wait3A_540 = tpu.memref_slice %arg4[%add3A_534, %dma_wait3A_539] : memref<65536x256xf32, #tpu.memory_space<hbm>> -> memref<64x256xf32, #tpu.memory_space<hbm>>
      %dma_wait3A_541 = arith.constant 0 : i32
      %dma_wait3A_542 = arith.constant 0 : i32
      %dma_wait3A_543 = tpu.memref_slice %arg7[%arg1, %dma_wait3A_535, %dma_wait3A_541, %dma_wait3A_542] : memref<16x2x64x256xf32, #tpu.memory_space<vmem_shared>> -> memref<1x1x64x256xf32, #tpu.memory_space<vmem_shared>>
      %dma_wait3A_544 = tpu.memref_squeeze %dma_wait3A_543 : memref<1x1x64x256xf32, #tpu.memory_space<vmem_shared>> -> memref<64x256xf32, #tpu.memory_space<vmem_shared>>
      tpu.wait_dma2 semaphore(%dma_wait3A_538 : memref<!tpu.dma_semaphore, #tpu.memory_space<semaphore_mem>>) src(%dma_wait3A_544 : memref<64x256xf32, #tpu.memory_space<vmem_shared>>) dst(%dma_wait3A_540 : memref<64x256xf32, #tpu.memory_space<hbm>>)
      %add3A_545 = arith.constant 1 : i32
      %add3A_546 = arith.addi %mul3A_251, %add3A_545 : i32
      %add3A_547 = arith.constant 2 : i32
      %add3A_548 = arith.addi %add3A_546, %add3A_547 : i32
      %add3A_549 = arith.constant 16 : i32
      %add3A_550 = arith.addi %add3A_549, %add3A_548 : i32
      %mul3A_551 = arith.constant 64 : i32
      %mul3A_552 = arith.muli %add3A_550, %mul3A_551 : i32
      %add3A_553 = arith.addi %mul3A_4, %mul3A_552 : i32
      %dma_start3A_554 = arith.constant 1 : i32
      %dma_start3A_555 = arith.constant 1 : i32
      %dma_start3A_556 = tpu.memref_slice %arg10[%dma_start3A_555] : memref<2x!tpu.dma_semaphore, #tpu.memory_space<semaphore_mem>> -> memref<1x!tpu.dma_semaphore, #tpu.memory_space<semaphore_mem>>
      %dma_start3A_557 = tpu.memref_squeeze %dma_start3A_556 : memref<1x!tpu.dma_semaphore, #tpu.memory_space<semaphore_mem>> -> memref<!tpu.dma_semaphore, #tpu.memory_space<semaphore_mem>>
      %dma_start3A_558 = arith.constant 0 : i32
      %dma_start3A_559 = arith.constant 0 : i32
      %dma_start3A_560 = tpu.memref_slice %arg7[%arg1, %dma_start3A_554, %dma_start3A_558, %dma_start3A_559] : memref<16x2x64x256xf32, #tpu.memory_space<vmem_shared>> -> memref<1x1x64x256xf32, #tpu.memory_space<vmem_shared>>
      %dma_start3A_561 = tpu.memref_squeeze %dma_start3A_560 : memref<1x1x64x256xf32, #tpu.memory_space<vmem_shared>> -> memref<64x256xf32, #tpu.memory_space<vmem_shared>>
      %dma_start3A_562 = arith.constant 0 : i32
      %dma_start3A_563 = tpu.memref_slice %arg2[%add3A_553, %dma_start3A_562] : memref<262144x256xf32, #tpu.memory_space<hbm>> -> memref<64x256xf32, #tpu.memory_space<hbm>>
      tpu.enqueue_dma source(%dma_start3A_563 : memref<64x256xf32, #tpu.memory_space<hbm>>) target(%dma_start3A_561 : memref<64x256xf32, #tpu.memory_space<vmem_shared>>) target_semaphore(%dma_start3A_557 : memref<!tpu.dma_semaphore, #tpu.memory_space<semaphore_mem>>)
    }
    %scan3A_69 = arith.constant 7 : i32
    %add3A_70 = arith.constant 896 : i32
    %add3A_71 = arith.addi %mul3A_4, %add3A_70 : i32
    %dma_wait3A = arith.constant 0 : i32
    %dma_wait3A_72 = arith.constant 0 : i32
    %dma_wait3A_73 = arith.constant 0 : i32
    %dma_wait3A_74 = arith.constant 0 : i32
    %dma_wait3A_75 = tpu.memref_slice %arg6[%dma_wait3A, %dma_wait3A_73, %dma_wait3A_74] : memref<2x64x256xf32, #tpu.memory_space<vmem>> -> memref<1x64x256xf32, #tpu.memory_space<vmem>>
    %dma_wait3A_76 = tpu.memref_squeeze %dma_wait3A_75 : memref<1x64x256xf32, #tpu.memory_space<vmem>> -> memref<64x256xf32, #tpu.memory_space<vmem>>
    %dma_wait3A_77 = arith.constant 0 : i32
    %dma_wait3A_78 = tpu.memref_slice %arg2[%add3A_71, %dma_wait3A_77] : memref<262144x256xf32, #tpu.memory_space<hbm>> -> memref<64x256xf32, #tpu.memory_space<hbm>>
    %dma_wait3A_79 = tpu.memref_slice %arg8[%dma_wait3A_72] : memref<2x!tpu.dma_semaphore, #tpu.memory_space<semaphore_mem>> -> memref<1x!tpu.dma_semaphore, #tpu.memory_space<semaphore_mem>>
    %dma_wait3A_80 = tpu.memref_squeeze %dma_wait3A_79 : memref<1x!tpu.dma_semaphore, #tpu.memory_space<semaphore_mem>> -> memref<!tpu.dma_semaphore, #tpu.memory_space<semaphore_mem>>
    %dma_wait3A_81 = arith.constant 0 : i32
    %dma_wait3A_82 = arith.constant 0 : i32
    %dma_wait3A_83 = tpu.memref_slice %arg6[%dma_wait3A, %dma_wait3A_81, %dma_wait3A_82] : memref<2x64x256xf32, #tpu.memory_space<vmem>> -> memref<1x64x256xf32, #tpu.memory_space<vmem>>
    %dma_wait3A_84 = tpu.memref_squeeze %dma_wait3A_83 : memref<1x64x256xf32, #tpu.memory_space<vmem>> -> memref<64x256xf32, #tpu.memory_space<vmem>>
    %dma_wait3A_85 = arith.constant 0 : i32
    %dma_wait3A_86 = tpu.memref_slice %arg2[%add3A_71, %dma_wait3A_85] : memref<262144x256xf32, #tpu.memory_space<hbm>> -> memref<64x256xf32, #tpu.memory_space<hbm>>
    tpu.wait_dma2 semaphore(%dma_wait3A_80 : memref<!tpu.dma_semaphore, #tpu.memory_space<semaphore_mem>>) src(%dma_wait3A_86 : memref<64x256xf32, #tpu.memory_space<hbm>>) dst(%dma_wait3A_84 : memref<64x256xf32, #tpu.memory_space<vmem>>)
    %add3A_87 = arith.constant 896 : i32
    %add3A_88 = arith.addi %mul3A_6, %add3A_87 : i32
    %dma_start3A_89 = arith.constant 0 : i32
    %dma_start3A_90 = arith.constant 0 : i32
    %dma_start3A_91 = arith.constant 0 : i32
    %dma_start3A_92 = arith.constant 0 : i32
    %dma_start3A_93 = tpu.memref_slice %arg6[%dma_start3A_89, %dma_start3A_91, %dma_start3A_92] : memref<2x64x256xf32, #tpu.memory_space<vmem>> -> memref<1x64x256xf32, #tpu.memory_space<vmem>>
    %dma_start3A_94 = tpu.memref_squeeze %dma_start3A_93 : memref<1x64x256xf32, #tpu.memory_space<vmem>> -> memref<64x256xf32, #tpu.memory_space<vmem>>
    %dma_start3A_95 = arith.constant 0 : i32
    %dma_start3A_96 = tpu.memref_slice %arg4[%add3A_88, %dma_start3A_95] : memref<65536x256xf32, #tpu.memory_space<hbm>> -> memref<64x256xf32, #tpu.memory_space<hbm>>
    %dma_start3A_97 = tpu.memref_slice %arg9[%dma_start3A_90] : memref<2x!tpu.dma_semaphore, #tpu.memory_space<semaphore_mem>> -> memref<1x!tpu.dma_semaphore, #tpu.memory_space<semaphore_mem>>
    %dma_start3A_98 = tpu.memref_squeeze %dma_start3A_97 : memref<1x!tpu.dma_semaphore, #tpu.memory_space<semaphore_mem>> -> memref<!tpu.dma_semaphore, #tpu.memory_space<semaphore_mem>>
    %dma_start3A_99 = arith.constant 0 : i32
    %dma_start3A_100 = tpu.memref_slice %arg4[%add3A_88, %dma_start3A_99] : memref<65536x256xf32, #tpu.memory_space<hbm>> -> memref<64x256xf32, #tpu.memory_space<hbm>>
    %dma_start3A_101 = arith.constant 0 : i32
    %dma_start3A_102 = arith.constant 0 : i32
    %dma_start3A_103 = tpu.memref_slice %arg6[%dma_start3A_89, %dma_start3A_101, %dma_start3A_102] : memref<2x64x256xf32, #tpu.memory_space<vmem>> -> memref<1x64x256xf32, #tpu.memory_space<vmem>>
    %dma_start3A_104 = tpu.memref_squeeze %dma_start3A_103 : memref<1x64x256xf32, #tpu.memory_space<vmem>> -> memref<64x256xf32, #tpu.memory_space<vmem>>
    tpu.enqueue_dma source(%dma_start3A_104 : memref<64x256xf32, #tpu.memory_space<vmem>>) target(%dma_start3A_100 : memref<64x256xf32, #tpu.memory_space<hbm>>) target_semaphore(%dma_start3A_98 : memref<!tpu.dma_semaphore, #tpu.memory_space<semaphore_mem>>)
    %add3A_105 = arith.constant 1920 : i32
    %add3A_106 = arith.addi %mul3A_4, %add3A_105 : i32
    %dma_wait3A_107 = arith.constant 0 : i32
    %dma_wait3A_108 = arith.constant 0 : i32
    %dma_wait3A_109 = tpu.memref_slice %arg10[%dma_wait3A_108] : memref<2x!tpu.dma_semaphore, #tpu.memory_space<semaphore_mem>> -> memref<1x!tpu.dma_semaphore, #tpu.memory_space<semaphore_mem>>
    %dma_wait3A_110 = tpu.memref_squeeze %dma_wait3A_109 : memref<1x!tpu.dma_semaphore, #tpu.memory_space<semaphore_mem>> -> memref<!tpu.dma_semaphore, #tpu.memory_space<semaphore_mem>>
    %dma_wait3A_111 = arith.constant 0 : i32
    %dma_wait3A_112 = arith.constant 0 : i32
    %dma_wait3A_113 = tpu.memref_slice %arg7[%arg1, %dma_wait3A_107, %dma_wait3A_111, %dma_wait3A_112] : memref<16x2x64x256xf32, #tpu.memory_space<vmem_shared>> -> memref<1x1x64x256xf32, #tpu.memory_space<vmem_shared>>
    %dma_wait3A_114 = tpu.memref_squeeze %dma_wait3A_113 : memref<1x1x64x256xf32, #tpu.memory_space<vmem_shared>> -> memref<64x256xf32, #tpu.memory_space<vmem_shared>>
    %dma_wait3A_115 = arith.constant 0 : i32
    %dma_wait3A_116 = tpu.memref_slice %arg2[%add3A_106, %dma_wait3A_115] : memref<262144x256xf32, #tpu.memory_space<hbm>> -> memref<64x256xf32, #tpu.memory_space<hbm>>
    tpu.wait_dma2 semaphore(%dma_wait3A_110 : memref<!tpu.dma_semaphore, #tpu.memory_space<semaphore_mem>>) src(%dma_wait3A_116 : memref<64x256xf32, #tpu.memory_space<hbm>>) dst(%dma_wait3A_114 : memref<64x256xf32, #tpu.memory_space<vmem_shared>>)
    %add3A_117 = arith.constant 1920 : i32
    %add3A_118 = arith.addi %mul3A_6, %add3A_117 : i32
    %dma_start3A_119 = arith.constant 0 : i32
    %dma_start3A_120 = arith.constant 0 : i32
    %dma_start3A_121 = tpu.memref_slice %arg11[%dma_start3A_120] : memref<2x!tpu.dma_semaphore, #tpu.memory_space<semaphore_mem>> -> memref<1x!tpu.dma_semaphore, #tpu.memory_space<semaphore_mem>>
    %dma_start3A_122 = tpu.memref_squeeze %dma_start3A_121 : memref<1x!tpu.dma_semaphore, #tpu.memory_space<semaphore_mem>> -> memref<!tpu.dma_semaphore, #tpu.memory_space<semaphore_mem>>
    %dma_start3A_123 = arith.constant 0 : i32
    %dma_start3A_124 = tpu.memref_slice %arg4[%add3A_118, %dma_start3A_123] : memref<65536x256xf32, #tpu.memory_space<hbm>> -> memref<64x256xf32, #tpu.memory_space<hbm>>
    %dma_start3A_125 = arith.constant 0 : i32
    %dma_start3A_126 = arith.constant 0 : i32
    %dma_start3A_127 = tpu.memref_slice %arg7[%arg1, %dma_start3A_119, %dma_start3A_125, %dma_start3A_126] : memref<16x2x64x256xf32, #tpu.memory_space<vmem_shared>> -> memref<1x1x64x256xf32, #tpu.memory_space<vmem_shared>>
    %dma_start3A_128 = tpu.memref_squeeze %dma_start3A_127 : memref<1x1x64x256xf32, #tpu.memory_space<vmem_shared>> -> memref<64x256xf32, #tpu.memory_space<vmem_shared>>
    tpu.enqueue_dma source(%dma_start3A_128 : memref<64x256xf32, #tpu.memory_space<vmem_shared>>) target(%dma_start3A_124 : memref<64x256xf32, #tpu.memory_space<hbm>>) target_semaphore(%dma_start3A_122 : memref<!tpu.dma_semaphore, #tpu.memory_space<semaphore_mem>>)
    %add3A_129 = arith.constant 960 : i32
    %add3A_130 = arith.addi %mul3A_4, %add3A_129 : i32
    %dma_wait3A_131 = arith.constant 1 : i32
    %dma_wait3A_132 = arith.constant 1 : i32
    %dma_wait3A_133 = arith.constant 0 : i32
    %dma_wait3A_134 = arith.constant 0 : i32
    %dma_wait3A_135 = tpu.memref_slice %arg6[%dma_wait3A_131, %dma_wait3A_133, %dma_wait3A_134] : memref<2x64x256xf32, #tpu.memory_space<vmem>> -> memref<1x64x256xf32, #tpu.memory_space<vmem>>
    %dma_wait3A_136 = tpu.memref_squeeze %dma_wait3A_135 : memref<1x64x256xf32, #tpu.memory_space<vmem>> -> memref<64x256xf32, #tpu.memory_space<vmem>>
    %dma_wait3A_137 = arith.constant 0 : i32
    %dma_wait3A_138 = tpu.memref_slice %arg2[%add3A_130, %dma_wait3A_137] : memref<262144x256xf32, #tpu.memory_space<hbm>> -> memref<64x256xf32, #tpu.memory_space<hbm>>
    %dma_wait3A_139 = tpu.memref_slice %arg8[%dma_wait3A_132] : memref<2x!tpu.dma_semaphore, #tpu.memory_space<semaphore_mem>> -> memref<1x!tpu.dma_semaphore, #tpu.memory_space<semaphore_mem>>
    %dma_wait3A_140 = tpu.memref_squeeze %dma_wait3A_139 : memref<1x!tpu.dma_semaphore, #tpu.memory_space<semaphore_mem>> -> memref<!tpu.dma_semaphore, #tpu.memory_space<semaphore_mem>>
    %dma_wait3A_141 = arith.constant 0 : i32
    %dma_wait3A_142 = arith.constant 0 : i32
    %dma_wait3A_143 = tpu.memref_slice %arg6[%dma_wait3A_131, %dma_wait3A_141, %dma_wait3A_142] : memref<2x64x256xf32, #tpu.memory_space<vmem>> -> memref<1x64x256xf32, #tpu.memory_space<vmem>>
    %dma_wait3A_144 = tpu.memref_squeeze %dma_wait3A_143 : memref<1x64x256xf32, #tpu.memory_space<vmem>> -> memref<64x256xf32, #tpu.memory_space<vmem>>
    %dma_wait3A_145 = arith.constant 0 : i32
    %dma_wait3A_146 = tpu.memref_slice %arg2[%add3A_130, %dma_wait3A_145] : memref<262144x256xf32, #tpu.memory_space<hbm>> -> memref<64x256xf32, #tpu.memory_space<hbm>>
    tpu.wait_dma2 semaphore(%dma_wait3A_140 : memref<!tpu.dma_semaphore, #tpu.memory_space<semaphore_mem>>) src(%dma_wait3A_146 : memref<64x256xf32, #tpu.memory_space<hbm>>) dst(%dma_wait3A_144 : memref<64x256xf32, #tpu.memory_space<vmem>>)
    %add3A_147 = arith.constant 960 : i32
    %add3A_148 = arith.addi %mul3A_6, %add3A_147 : i32
    %dma_start3A_149 = arith.constant 1 : i32
    %dma_start3A_150 = arith.constant 1 : i32
    %dma_start3A_151 = arith.constant 0 : i32
    %dma_start3A_152 = arith.constant 0 : i32
    %dma_start3A_153 = tpu.memref_slice %arg6[%dma_start3A_149, %dma_start3A_151, %dma_start3A_152] : memref<2x64x256xf32, #tpu.memory_space<vmem>> -> memref<1x64x256xf32, #tpu.memory_space<vmem>>
    %dma_start3A_154 = tpu.memref_squeeze %dma_start3A_153 : memref<1x64x256xf32, #tpu.memory_space<vmem>> -> memref<64x256xf32, #tpu.memory_space<vmem>>
    %dma_start3A_155 = arith.constant 0 : i32
    %dma_start3A_156 = tpu.memref_slice %arg4[%add3A_148, %dma_start3A_155] : memref<65536x256xf32, #tpu.memory_space<hbm>> -> memref<64x256xf32, #tpu.memory_space<hbm>>
    %dma_start3A_157 = tpu.memref_slice %arg9[%dma_start3A_150] : memref<2x!tpu.dma_semaphore, #tpu.memory_space<semaphore_mem>> -> memref<1x!tpu.dma_semaphore, #tpu.memory_space<semaphore_mem>>
    %dma_start3A_158 = tpu.memref_squeeze %dma_start3A_157 : memref<1x!tpu.dma_semaphore, #tpu.memory_space<semaphore_mem>> -> memref<!tpu.dma_semaphore, #tpu.memory_space<semaphore_mem>>
    %dma_start3A_159 = arith.constant 0 : i32
    %dma_start3A_160 = tpu.memref_slice %arg4[%add3A_148, %dma_start3A_159] : memref<65536x256xf32, #tpu.memory_space<hbm>> -> memref<64x256xf32, #tpu.memory_space<hbm>>
    %dma_start3A_161 = arith.constant 0 : i32
    %dma_start3A_162 = arith.constant 0 : i32
    %dma_start3A_163 = tpu.memref_slice %arg6[%dma_start3A_149, %dma_start3A_161, %dma_start3A_162] : memref<2x64x256xf32, #tpu.memory_space<vmem>> -> memref<1x64x256xf32, #tpu.memory_space<vmem>>
    %dma_start3A_164 = tpu.memref_squeeze %dma_start3A_163 : memref<1x64x256xf32, #tpu.memory_space<vmem>> -> memref<64x256xf32, #tpu.memory_space<vmem>>
    tpu.enqueue_dma source(%dma_start3A_164 : memref<64x256xf32, #tpu.memory_space<vmem>>) target(%dma_start3A_160 : memref<64x256xf32, #tpu.memory_space<hbm>>) target_semaphore(%dma_start3A_158 : memref<!tpu.dma_semaphore, #tpu.memory_space<semaphore_mem>>)
    %add3A_165 = arith.constant 1984 : i32
    %add3A_166 = arith.addi %mul3A_4, %add3A_165 : i32
    %dma_wait3A_167 = arith.constant 1 : i32
    %dma_wait3A_168 = arith.constant 1 : i32
    %dma_wait3A_169 = tpu.memref_slice %arg10[%dma_wait3A_168] : memref<2x!tpu.dma_semaphore, #tpu.memory_space<semaphore_mem>> -> memref<1x!tpu.dma_semaphore, #tpu.memory_space<semaphore_mem>>
    %dma_wait3A_170 = tpu.memref_squeeze %dma_wait3A_169 : memref<1x!tpu.dma_semaphore, #tpu.memory_space<semaphore_mem>> -> memref<!tpu.dma_semaphore, #tpu.memory_space<semaphore_mem>>
    %dma_wait3A_171 = arith.constant 0 : i32
    %dma_wait3A_172 = arith.constant 0 : i32
    %dma_wait3A_173 = tpu.memref_slice %arg7[%arg1, %dma_wait3A_167, %dma_wait3A_171, %dma_wait3A_172] : memref<16x2x64x256xf32, #tpu.memory_space<vmem_shared>> -> memref<1x1x64x256xf32, #tpu.memory_space<vmem_shared>>
    %dma_wait3A_174 = tpu.memref_squeeze %dma_wait3A_173 : memref<1x1x64x256xf32, #tpu.memory_space<vmem_shared>> -> memref<64x256xf32, #tpu.memory_space<vmem_shared>>
    %dma_wait3A_175 = arith.constant 0 : i32
    %dma_wait3A_176 = tpu.memref_slice %arg2[%add3A_166, %dma_wait3A_175] : memref<262144x256xf32, #tpu.memory_space<hbm>> -> memref<64x256xf32, #tpu.memory_space<hbm>>
    tpu.wait_dma2 semaphore(%dma_wait3A_170 : memref<!tpu.dma_semaphore, #tpu.memory_space<semaphore_mem>>) src(%dma_wait3A_176 : memref<64x256xf32, #tpu.memory_space<hbm>>) dst(%dma_wait3A_174 : memref<64x256xf32, #tpu.memory_space<vmem_shared>>)
    %add3A_177 = arith.constant 1984 : i32
    %add3A_178 = arith.addi %mul3A_6, %add3A_177 : i32
    %dma_start3A_179 = arith.constant 1 : i32
    %dma_start3A_180 = arith.constant 1 : i32
    %dma_start3A_181 = tpu.memref_slice %arg11[%dma_start3A_180] : memref<2x!tpu.dma_semaphore, #tpu.memory_space<semaphore_mem>> -> memref<1x!tpu.dma_semaphore, #tpu.memory_space<semaphore_mem>>
    %dma_start3A_182 = tpu.memref_squeeze %dma_start3A_181 : memref<1x!tpu.dma_semaphore, #tpu.memory_space<semaphore_mem>> -> memref<!tpu.dma_semaphore, #tpu.memory_space<semaphore_mem>>
    %dma_start3A_183 = arith.constant 0 : i32
    %dma_start3A_184 = tpu.memref_slice %arg4[%add3A_178, %dma_start3A_183] : memref<65536x256xf32, #tpu.memory_space<hbm>> -> memref<64x256xf32, #tpu.memory_space<hbm>>
    %dma_start3A_185 = arith.constant 0 : i32
    %dma_start3A_186 = arith.constant 0 : i32
    %dma_start3A_187 = tpu.memref_slice %arg7[%arg1, %dma_start3A_179, %dma_start3A_185, %dma_start3A_186] : memref<16x2x64x256xf32, #tpu.memory_space<vmem_shared>> -> memref<1x1x64x256xf32, #tpu.memory_space<vmem_shared>>
    %dma_start3A_188 = tpu.memref_squeeze %dma_start3A_187 : memref<1x1x64x256xf32, #tpu.memory_space<vmem_shared>> -> memref<64x256xf32, #tpu.memory_space<vmem_shared>>
    tpu.enqueue_dma source(%dma_start3A_188 : memref<64x256xf32, #tpu.memory_space<vmem_shared>>) target(%dma_start3A_184 : memref<64x256xf32, #tpu.memory_space<hbm>>) target_semaphore(%dma_start3A_182 : memref<!tpu.dma_semaphore, #tpu.memory_space<semaphore_mem>>)
    %add3A_189 = arith.constant 896 : i32
    %add3A_190 = arith.addi %mul3A_6, %add3A_189 : i32
    %dma_wait3A_191 = arith.constant 0 : i32
    %dma_wait3A_192 = arith.constant 0 : i32
    %dma_wait3A_193 = arith.constant 0 : i32
    %dma_wait3A_194 = arith.constant 0 : i32
    %dma_wait3A_195 = tpu.memref_slice %arg6[%dma_wait3A_191, %dma_wait3A_193, %dma_wait3A_194] : memref<2x64x256xf32, #tpu.memory_space<vmem>> -> memref<1x64x256xf32, #tpu.memory_space<vmem>>
    %dma_wait3A_196 = tpu.memref_squeeze %dma_wait3A_195 : memref<1x64x256xf32, #tpu.memory_space<vmem>> -> memref<64x256xf32, #tpu.memory_space<vmem>>
    %dma_wait3A_197 = arith.constant 0 : i32
    %dma_wait3A_198 = tpu.memref_slice %arg4[%add3A_190, %dma_wait3A_197] : memref<65536x256xf32, #tpu.memory_space<hbm>> -> memref<64x256xf32, #tpu.memory_space<hbm>>
    %dma_wait3A_199 = tpu.memref_slice %arg9[%dma_wait3A_192] : memref<2x!tpu.dma_semaphore, #tpu.memory_space<semaphore_mem>> -> memref<1x!tpu.dma_semaphore, #tpu.memory_space<semaphore_mem>>
    %dma_wait3A_200 = tpu.memref_squeeze %dma_wait3A_199 : memref<1x!tpu.dma_semaphore, #tpu.memory_space<semaphore_mem>> -> memref<!tpu.dma_semaphore, #tpu.memory_space<semaphore_mem>>
    %dma_wait3A_201 = arith.constant 0 : i32
    %dma_wait3A_202 = tpu.memref_slice %arg4[%add3A_190, %dma_wait3A_201] : memref<65536x256xf32, #tpu.memory_space<hbm>> -> memref<64x256xf32, #tpu.memory_space<hbm>>
    %dma_wait3A_203 = arith.constant 0 : i32
    %dma_wait3A_204 = arith.constant 0 : i32
    %dma_wait3A_205 = tpu.memref_slice %arg6[%dma_wait3A_191, %dma_wait3A_203, %dma_wait3A_204] : memref<2x64x256xf32, #tpu.memory_space<vmem>> -> memref<1x64x256xf32, #tpu.memory_space<vmem>>
    %dma_wait3A_206 = tpu.memref_squeeze %dma_wait3A_205 : memref<1x64x256xf32, #tpu.memory_space<vmem>> -> memref<64x256xf32, #tpu.memory_space<vmem>>
    tpu.wait_dma2 semaphore(%dma_wait3A_200 : memref<!tpu.dma_semaphore, #tpu.memory_space<semaphore_mem>>) src(%dma_wait3A_206 : memref<64x256xf32, #tpu.memory_space<vmem>>) dst(%dma_wait3A_202 : memref<64x256xf32, #tpu.memory_space<hbm>>)
    %add3A_207 = arith.constant 1920 : i32
    %add3A_208 = arith.addi %mul3A_6, %add3A_207 : i32
    %dma_wait3A_209 = arith.constant 0 : i32
    %dma_wait3A_210 = arith.constant 0 : i32
    %dma_wait3A_211 = tpu.memref_slice %arg11[%dma_wait3A_210] : memref<2x!tpu.dma_semaphore, #tpu.memory_space<semaphore_mem>> -> memref<1x!tpu.dma_semaphore, #tpu.memory_space<semaphore_mem>>
    %dma_wait3A_212 = tpu.memref_squeeze %dma_wait3A_211 : memref<1x!tpu.dma_semaphore, #tpu.memory_space<semaphore_mem>> -> memref<!tpu.dma_semaphore, #tpu.memory_space<semaphore_mem>>
    %dma_wait3A_213 = arith.constant 0 : i32
    %dma_wait3A_214 = tpu.memref_slice %arg4[%add3A_208, %dma_wait3A_213] : memref<65536x256xf32, #tpu.memory_space<hbm>> -> memref<64x256xf32, #tpu.memory_space<hbm>>
    %dma_wait3A_215 = arith.constant 0 : i32
    %dma_wait3A_216 = arith.constant 0 : i32
    %dma_wait3A_217 = tpu.memref_slice %arg7[%arg1, %dma_wait3A_209, %dma_wait3A_215, %dma_wait3A_216] : memref<16x2x64x256xf32, #tpu.memory_space<vmem_shared>> -> memref<1x1x64x256xf32, #tpu.memory_space<vmem_shared>>
    %dma_wait3A_218 = tpu.memref_squeeze %dma_wait3A_217 : memref<1x1x64x256xf32, #tpu.memory_space<vmem_shared>> -> memref<64x256xf32, #tpu.memory_space<vmem_shared>>
    tpu.wait_dma2 semaphore(%dma_wait3A_212 : memref<!tpu.dma_semaphore, #tpu.memory_space<semaphore_mem>>) src(%dma_wait3A_218 : memref<64x256xf32, #tpu.memory_space<vmem_shared>>) dst(%dma_wait3A_214 : memref<64x256xf32, #tpu.memory_space<hbm>>)
    %add3A_219 = arith.constant 960 : i32
    %add3A_220 = arith.addi %mul3A_6, %add3A_219 : i32
    %dma_wait3A_221 = arith.constant 1 : i32
    %dma_wait3A_222 = arith.constant 1 : i32
    %dma_wait3A_223 = arith.constant 0 : i32
    %dma_wait3A_224 = arith.constant 0 : i32
    %dma_wait3A_225 = tpu.memref_slice %arg6[%dma_wait3A_221, %dma_wait3A_223, %dma_wait3A_224] : memref<2x64x256xf32, #tpu.memory_space<vmem>> -> memref<1x64x256xf32, #tpu.memory_space<vmem>>
    %dma_wait3A_226 = tpu.memref_squeeze %dma_wait3A_225 : memref<1x64x256xf32, #tpu.memory_space<vmem>> -> memref<64x256xf32, #tpu.memory_space<vmem>>
    %dma_wait3A_227 = arith.constant 0 : i32
    %dma_wait3A_228 = tpu.memref_slice %arg4[%add3A_220, %dma_wait3A_227] : memref<65536x256xf32, #tpu.memory_space<hbm>> -> memref<64x256xf32, #tpu.memory_space<hbm>>
    %dma_wait3A_229 = tpu.memref_slice %arg9[%dma_wait3A_222] : memref<2x!tpu.dma_semaphore, #tpu.memory_space<semaphore_mem>> -> memref<1x!tpu.dma_semaphore, #tpu.memory_space<semaphore_mem>>
    %dma_wait3A_230 = tpu.memref_squeeze %dma_wait3A_229 : memref<1x!tpu.dma_semaphore, #tpu.memory_space<semaphore_mem>> -> memref<!tpu.dma_semaphore, #tpu.memory_space<semaphore_mem>>
    %dma_wait3A_231 = arith.constant 0 : i32
    %dma_wait3A_232 = tpu.memref_slice %arg4[%add3A_220, %dma_wait3A_231] : memref<65536x256xf32, #tpu.memory_space<hbm>> -> memref<64x256xf32, #tpu.memory_space<hbm>>
    %dma_wait3A_233 = arith.constant 0 : i32
    %dma_wait3A_234 = arith.constant 0 : i32
    %dma_wait3A_235 = tpu.memref_slice %arg6[%dma_wait3A_221, %dma_wait3A_233, %dma_wait3A_234] : memref<2x64x256xf32, #tpu.memory_space<vmem>> -> memref<1x64x256xf32, #tpu.memory_space<vmem>>
    %dma_wait3A_236 = tpu.memref_squeeze %dma_wait3A_235 : memref<1x64x256xf32, #tpu.memory_space<vmem>> -> memref<64x256xf32, #tpu.memory_space<vmem>>
    tpu.wait_dma2 semaphore(%dma_wait3A_230 : memref<!tpu.dma_semaphore, #tpu.memory_space<semaphore_mem>>) src(%dma_wait3A_236 : memref<64x256xf32, #tpu.memory_space<vmem>>) dst(%dma_wait3A_232 : memref<64x256xf32, #tpu.memory_space<hbm>>)
    %add3A_237 = arith.constant 1984 : i32
    %add3A_238 = arith.addi %mul3A_6, %add3A_237 : i32
    %dma_wait3A_239 = arith.constant 1 : i32
    %dma_wait3A_240 = arith.constant 1 : i32
    %dma_wait3A_241 = tpu.memref_slice %arg11[%dma_wait3A_240] : memref<2x!tpu.dma_semaphore, #tpu.memory_space<semaphore_mem>> -> memref<1x!tpu.dma_semaphore, #tpu.memory_space<semaphore_mem>>
    %dma_wait3A_242 = tpu.memref_squeeze %dma_wait3A_241 : memref<1x!tpu.dma_semaphore, #tpu.memory_space<semaphore_mem>> -> memref<!tpu.dma_semaphore, #tpu.memory_space<semaphore_mem>>
    %dma_wait3A_243 = arith.constant 0 : i32
    %dma_wait3A_244 = tpu.memref_slice %arg4[%add3A_238, %dma_wait3A_243] : memref<65536x256xf32, #tpu.memory_space<hbm>> -> memref<64x256xf32, #tpu.memory_space<hbm>>
    %dma_wait3A_245 = arith.constant 0 : i32
    %dma_wait3A_246 = arith.constant 0 : i32
    %dma_wait3A_247 = tpu.memref_slice %arg7[%arg1, %dma_wait3A_239, %dma_wait3A_245, %dma_wait3A_246] : memref<16x2x64x256xf32, #tpu.memory_space<vmem_shared>> -> memref<1x1x64x256xf32, #tpu.memory_space<vmem_shared>>
    %dma_wait3A_248 = tpu.memref_squeeze %dma_wait3A_247 : memref<1x1x64x256xf32, #tpu.memory_space<vmem_shared>> -> memref<64x256xf32, #tpu.memory_space<vmem_shared>>
    tpu.wait_dma2 semaphore(%dma_wait3A_242 : memref<!tpu.dma_semaphore, #tpu.memory_space<semaphore_mem>>) src(%dma_wait3A_248 : memref<64x256xf32, #tpu.memory_space<vmem_shared>>) dst(%dma_wait3A_244 : memref<64x256xf32, #tpu.memory_space<hbm>>)
    return
  }
}

</mosaic_0001>

<sc_bundles>
// kernel: kernel.3.cloned.1.call-start
scs
__scs_entry_jumppad:
0x0: {  	(pc) =	sbr.rel $0x88, $3  }
0x1: {  	(tag) =	ssettag $0x0;
	lr =	simm.s32 $0x1  }
0x2: {  	[smem:$0x3FA0] =	sst lr;
	_ =	strace $0xD0000000  }
0x3: {  	_ = 	snop  }
0x4: {  	_ = 	snop  }
0x5: {  	_ = 	snop  }
0x6: {  	_ = 	snop  }
0x7: {  	_ = 	snop  }
__scs_overlays_trampoline_lowered:
0x8: {  	[smem:$0x3FAF] =	sst s0  }
0x9: {  	[smem:$0x3FB0] =	sst s1  }
0xa: {  	[smem:$0x3FB1] =	sst s2  }
0xb: {  	[smem:$0x3FB2] =	sst s3  }
0xc: {  	[smem:$0x3FB3] =	sst s4  }
0xd: {  	[smem:$0x3FB4] =	sst s5  }
0xe: {  	[smem:$0x3FB5] =	sst s6  }
0xf: {  	[smem:$0x3FB6] =	sst s7  }
0x10: {  	[smem:$0x3FB7] =	sst s8  }
0x11: {  	[smem:$0x3FB8] =	sst s9;
	s0 =	simm.s32 @!p0 $0x0  }
0x12: {  	s1 =	sld [smem:$0x3F9E];
	s0 =	simm.s32 @p0 $0x1  }
0x13: {  	[smem:$0x3FB9] =	sst s0;
	s0 =	simm.s32 @!p1 $0x0  }
0x14: {  	s2 =	sld [smem:$0x3F9D];
	s0 =	simm.s32 @p1 $0x1  }
0x15: {  	[smem:$0x3FBA] =	sst s0;
	s0 =	simm.s32 @!p2 $0x0  }
0x16: {  	s3 =	sld [smem:$0x3FDB];
	s0 =	simm.s32 @p2 $0x1  }
0x17: {  	s4 =	simm.s32 $0x1BF5;
	[smem:$0x3FBC] =	sst s0  }
0x18: {  	s0 =	sld [smem:$0x3F9F];
	_ =	swait.ge [sflag:s4], $0x0  }
0x19: {  	s7 =	sld [smem:$0x3FA0]  }
0x1a: {  	s8 =	sadd.s32 $0xFFFFE003, lr  }
0x1b: {  	s9 =	sadd.s32 $0xFFFFFEF7, lr;
	s5 =	simm.s32 $0xFFFFFFFF;
	p2 =	slt.u32 s8, $0xFFFFF086  }
0x1c: {  	p1 =	slt.u32 s9, $0xF7A;
	s5 =	simm.s32 @!p2 $0x0  }
0x1d: {  	s5 =	simm.s32 @p1 $0x1;
	p0 =	seq.s32 s7, s2  }
0x1e: {  	s7 =	smul.u32 @!p0 $0xF7A, s2;
	p2 =	seq.s32 @!p0 s5, $0x0  }
0x1f: {  	s9 =	smul.u32 $0xF7A, s1;
	s8 =	simm.s32 @!p0 $0x1BF5;
	p2 =	por !p2, p0  }
0x20: {  	[sflag:s8] =	ssyncset.s32 @!p0 $0xFFFFF086;
	s6 =	sadd.s32 @!p0 s3, s7;
	s7 =	simm.s32 @!p0 $0x108  }
0x21: {  	s3 =	sadd.s32 s3, s9;
	s6 =	sadd.s32 @!p0 $0x88, s6;
	s7 =	simm.s32 @p2 $0x1082  }
0x22: {  	[simem:s7], [sflag:s8] =	dma.local @!p0 [hbm:s6], $0xF7A  }
0x23: {  	s9 =	sor.u32 $0xD0000000, s2;
	s6 =	simm.s32 $0x108;
	_ =	swait.ge @!p0 [sflag:s8], $0x0  }
0x24: {  	s3 =	sadd.s32 $0x88, s3;
	s6 =	simm.s32 @!p1 $0x1082;
	[sflag:s4] =	ssyncset.s32 $0xFFFFF086  }
0x25: {  	[simem:s6], [sflag:s4] =	dma.local [hbm:s3], $0xF7A  }
0x26: {  	[smem:$0x3FA0] =	sst s1;
	(tag) =	ssettag s2;
	_ =	strace s9  }
0x27: {  	s1 =	sld [smem:$0x3FB0]  }
0x28: {  	s2 =	sld [smem:$0x3FB1]  }
0x29: {  	s4 =	sld [smem:$0x3FB3]  }
0x2a: {  	p0 =	seq.s32 s5, $0x0;
	s5 =	sld [smem:$0x3FB4]  }
0x2b: {  	s6 =	sld [smem:$0x3FB5]  }
0x2c: {  	s7 =	sld [smem:$0x3FB6]  }
0x2d: {  	s3 =	simm.s32 $0x108;
	s8 =	sld [smem:$0x3FB7]  }
0x2e: {  	s3 =	simm.s32 @!p0 $0x1082;
	s9 =	sld [smem:$0x3FB8]  }
0x2f: {  	lr =	sadd.s32 s0, s3;
	s0 =	sld [smem:$0x3FAF]  }
0x30: {  	s3 =	sld [smem:$0x3FB2]  }
0x31: {  	[smem:$0x3FBB] =	sst s10  }
0x32: {  	s10 =	sld [smem:$0x3FB9];
	_ =	sdelay $0x3  }
0x33: {  	p0 =	seq.s32 s10, $0x1;
	s10 =	sld [smem:$0x3FBB];
	_ =	sdelay $0x3  }
0x34: {  	[smem:$0x3FBB] =	sst s10  }
0x35: {  	s10 =	sld [smem:$0x3FBA];
	_ =	sdelay $0x3  }
0x36: {  	p1 =	seq.s32 s10, $0x1;
	s10 =	sld [smem:$0x3FBB];
	_ =	sdelay $0x3  }
0x37: {  	[smem:$0x3FBB] =	sst s10  }
0x38: {  	s10 =	sld [smem:$0x3FBC]  }
0x39: {  	_ = 	snop;
	(pc) =	sbr.ind lr, $3  }
0x3a: {  	_ = 	snop  }
0x3b: {  	_ = 	snop  }
0x3c: {  	p2 =	seq.s32 s10, $0x1;
	s10 =	sld [smem:$0x3FBB]  }
0x3d: {  	_ =	shalt  }
0x3e: {  	_ =	shalt  }
0x3f: {  	_ =	shalt  }
0x40: {  	_ =	shalt  }
0x41: {  	_ =	shalt  }
0x42: {  	_ =	shalt  }
0x43: {  	_ =	shalt  }
0x44: {  	_ =	shalt  }
0x45: {  	_ =	shalt  }
0x46: {  	_ =	shalt  }
0x47: {  	_ =	shalt  }
0x48: {  	_ =	shalt  }
0x49: {  	_ =	shalt  }
0x4a: {  	_ =	shalt  }
0x4b: {  	_ =	shalt  }
0x4c: {  	_ =	shalt  }
0x4d: {  	_ =	shalt  }
0x4e: {  	_ =	shalt  }
0x4f: {  	_ =	shalt  }
0x50: {  	_ =	shalt  }
0x51: {  	_ =	shalt  }
0x52: {  	_ =	shalt  }
0x53: {  	_ =	shalt  }
0x54: {  	_ =	shalt  }
0x55: {  	_ =	shalt  }
0x56: {  	_ =	shalt  }
0x57: {  	_ =	shalt  }
0x58: {  	_ =	shalt  }
0x59: {  	_ =	shalt  }
0x5a: {  	_ =	shalt  }
0x5b: {  	_ =	shalt  }
0x5c: {  	_ =	shalt  }
0x5d: {  	_ =	shalt  }
0x5e: {  	_ =	shalt  }
0x5f: {  	_ =	shalt  }
0x60: {  	_ =	shalt  }
0x61: {  	_ =	shalt  }
0x62: {  	_ =	shalt  }
0x63: {  	_ =	shalt  }
0x64: {  	_ =	shalt  }
0x65: {  	_ =	shalt  }
0x66: {  	_ =	shalt  }
0x67: {  	_ =	shalt  }
0x68: {  	_ =	shalt  }
0x69: {  	_ =	shalt  }
0x6a: {  	_ =	shalt  }
0x6b: {  	_ =	shalt  }
0x6c: {  	_ =	shalt  }
0x6d: {  	_ =	shalt  }
0x6e: {  	_ =	shalt  }
0x6f: {  	_ =	shalt  }
0x70: {  	_ =	shalt  }
0x71: {  	_ =	shalt  }
0x72: {  	_ =	shalt  }
0x73: {  	_ =	shalt  }
0x74: {  	_ =	shalt  }
0x75: {  	_ =	shalt  }
0x76: {  	_ =	shalt  }
0x77: {  	_ =	shalt  }
0x78: {  	_ =	shalt  }
0x79: {  	_ =	shalt  }
0x7a: {  	_ =	shalt  }
0x7b: {  	_ =	shalt  }
0x7c: {  	_ =	shalt  }
0x7d: {  	_ =	shalt  }
0x7e: {  	_ =	shalt  }
0x7f: {  	_ =	shalt  }
0x80: {  	_ =	shalt  }
0x81: {  	_ =	shalt  }
0x82: {  	_ =	shalt  }
0x83: {  	_ =	shalt  }
0x84: {  	_ =	shalt  }
0x85: {  	_ =	shalt  }
0x86: {  	_ =	shalt  }
0x87: {  	_ =	shalt  }
.Lfunc_end0:
.L_simem_size_0:
called_computation_lowered:
.L_overlay_start_0:
0x88: {  	s2 =	sld [smem:$0x3FD9]  }
0x89: {  	s3 =	sld [smem:$0x3FFE];
	_ =	sdelay $0x1  }
0x8a: {  	s1 =	srdreg.scid  }
0x8b: {  	s0 =	sand.u32 $0x1, s1  }
0x8c: {  	s17 =	sshll.u32 s0, $0xA;
	s2 =	sadd.s32 s3, s2  }
0x8d: {  	s2 =	sadd.s32 s2, s17  }
0x8e: {  	[smem:$0x3FC7] =	sst s2  }
0x8f: {  	_ = 	snop  }
0x90: {  	s2 =	sld [smem:$0x3FC9]  }
0x91: {  	s18 =	sld [smem:$0x3FD0];
	(tm) =	ssettm $0x1  }
0x92: {  	s4 =	sld [smem:$0x3FFB];
	_ =	sdelay $0x3  }
0x93: {  	_ =	strace s4  }
0x94: {  	s4 =	sld [smem:$0x3FFC];
	_ =	sdelay $0x3  }
0x95: {  	_ =	strace s4  }
0x96: {  	s4 =	sld [smem:$0x3FFD];
	_ =	sdelay $0x3  }
0x97: {  	_ =	strace s4  }
0x98: {  	_ =	strace $0x8FFFFFFF  }
0x99: {  	s19 =	sld [smem:$0x3FDB];
	_ =	sdelay $0x1  }
0x9a: {  	s5 =	simm.s32 $_scs_section_size  }
0x9b: {  	s6 =	simm.s32 $_size__tile_overlayer_lowered;
	s7 =	simm.s32 $_tile_overlayer_lowered  }
0x9c: {  	s22 =	simm.s32 $0x1BFF;
	s21 =	sshll.u32 s7, $0x1;
	s4 =	sadd.s32 s5, s19  }
0x9d: {  	s8 =	simm.s32 $0x0;
	s20 =	sshll.u32 s6, $0x1;
	s6 =	sadd.s32 s21, s4  }
0x9e: {  	[timem:s8], [sflag:s22] =	dma.local [hbm:s6], s20  }
0x9f: {  	_ =	swait.ge [sflag:s22], s20  }
0xa0: {  	s5 =	ssub.s32 $0x0, s20;
	[sflag:s22] =	ssyncset.done $0x0  }
0xa1: {  	[sflag:s22] =	ssyncadd.s32 s5;
	_ =	sdelay $0x1  }
0xa2: {  	s23 =	simm.s32 $0x1B8B  }
0xa3: {  	_ =	swait.ge [sflag:s23], $0x1  }
0xa4: {  	[sflag:s23] =	ssyncset.done $0x0  }
0xa5: {  	s25 =	simm.s32 $0x1B8E;
	s24 =	sld [smem:$0x3FFE];
	[sflag:s23] =	ssyncadd.s32 $0xFFFFFFFF  }
0xa6: {  	s26 =	simm.s32 $execute0_lowered;
	[smem:$0x3FD2] =	sst s25  }
0xa7: {  	s6 =	sshll.u32 s26, $0x1;
	_ =	strace $0x80000046;
	[dreg:$0x1] =	wrdreg $0xFFFFFFFF  }
0xa8: {  	s28 =	simm.s32 $_size_execute0_lowered;
	s4 =	sadd.s32 s4, s6;
	[dreg:$0x0] =	wrdreg $0x0  }
0xa9: {  	s6 =	sshll.u32 s28, $0x1;
	[dreg:$0x2] =	wrdreg s4  }
0xaa: {  	[dreg:$0x3] =	wrdreg s6  }
0xab: {  	[dreg:$0x4] =	wrdreg $0xC0  }
0xac: {  	_ =	task [dreg:s8], $0x5FFFF  }
0xad: {  	[dreg:$0x1] =	wrdreg $0xFFFFFFFF  }
0xae: {  	[dreg:$0x0] =	wrdreg $0x60  }
0xaf: {  	[dreg:$0x2] =	wrdreg s2  }
0xb0: {  	[dreg:$0x3] =	wrdreg s24  }
0xb1: {  	[dreg:$0x4] =	wrdreg s18  }
0xb2: {  	[dreg:$0x5] =	wrdreg $0x80800  }
0xb3: {  	[dreg:$0x6] =	wrdreg $0x9  }
0xb4: {  	_ =	task.clear_ibuf [dreg:s8], $0x7FFFF;
	_ =	strace $0x90000046  }
0xb5: {  	s29 =	simm.s32 $0x9;
	_ =	strace $0x80000048  }
0xb6: {  	_ =	swait.ge [sflag:s29], $0x1  }
0xb7: {  	[sflag:s29] =	ssyncadd.s32 $0xFFFFFFFF  }
0xb8: {  	_ =	strace $0x90000048  }
0xb9: {  	_ =	sfence  }
0xba: {  	s30 =	sld [smem:$0x0];
	_ =	sdelay $0x2  }
0xbb: {  	s31 =	sshll.u32 s1, $0xD;
	s1 =	sshrl.u32 s1, $0x2  }
0xbc: {  	s3 =	sand.u32 $0x4000, s31;
	s1 =	sadd.s32 s1, s30  }
0xbd: {  	s0 =	sor.u32 s3, s0;
	s1 =	sshll.u32 s1, $0x11  }
0xbe: {  	s0 =	sor.u32 s1, s0  }
0xbf: {  	s0 =	sadd.s32 $0x8F2B, s0  }
0xc0: {  	[sflag:s0] =	ssyncadd.remote.s32 $0x1  }
0xc1: {  	_ =	sfence.sel $0xFFFF  }
0xc2: {  	[dreg:$0x0] =	wrdreg $0xFFFFFFFF;
	(pc) =	sbr.abs _section_cstart, $3  }
0xc3: {  	[dreg:$0x1] =	wrdreg $0xFFFFFFFF  }
0xc4: {  	_ =	task.clear_ibuf [dreg:s8], $0x2FFFF;
	_ =	strace $0x9FFFFFFF  }
0xc5: {  	(tm) =	ssettm $0x7FFFFFFF  }
tec
execute0_lowered:
.L_overlay_start_1:
0x0: {  	(tag) =	ssettag $0x1  }
0x1: {  	s9 =	rddreg [dreg:$0x0]  }
0x2: {  	s0 =	rddreg [dreg:$0x1]  }
0x3: {  	s1 =	rddreg [dreg:$0x2]  }
0x4: {  	s3 =	rddreg [dreg:$0x3]  }
0x5: {  	s2 =	simm.s32 $0x0;
	s4 =	srdreg.scid;
	s16 =	stileid.u32  }
0x6: {  	s15 =	simm.s32 $0x9;
	s17 =	simm.s32 $0x80;
	s20 =	simm.s32 $0x4080  }
0x7: {  	s28 =	simm.s32 $0x3;
	s29 =	simm.s32 $0x7;
	s30 =	simm.s32 $0x4  }
0x8: {  	s31 =	simm.s32 $0x8;
	[smem:$0x7FF] =	sst s2;
	s0 =	sadd.s32 $0x400, s0  }
0x9: {  	s21 =	sand.u32 $0x1, s4;
	s5 =	sshll.u32 s16, $0x1;
	s6 =	sshll.u32 s16, $0x11  }
0xa: {  	s24 =	sadd.s32 $0x8000, s9;
	_ =	strace $0x80000047;
	[dreg:$0x5] =	wrdreg s0  }
0xb: {  	s25 =	sadd.s32 $0x800, s9;
	s26 =	sadd.s32 $0x8800, s9;
	[dreg:$0x7] =	wrdreg s24  }
0xc: {  	s16 =	sshll.u32 s16, $0x6;
	s4 =	ssub.s32 $0x2, s21;
	[dreg:$0x8] =	wrdreg s25  }
0xd: {  	s5 =	sor.u32 s21, s5;
	s8 =	sshrl.u32 s6, $0x2;
	[dreg:$0x9] =	wrdreg s26  }
0xe: {  	s0 =	sshll.u32 s21, $0x10;
	s18 =	sor.u32 $0x1C05, s16;
	s21 =	sor.u32 $0x1C06, s16  }
0xf: {  	s24 =	simm.s32 $0x5;
	s25 =	simm.s32 $0x2;
	s26 =	simm.s32 $0x6  }
0x10: {  	s7 =	sshrl.u32 s4, $0x1;
	s3 =	sadd.s32 s8, s3;
	s23 =	sshll.u32 s5, $0x10  }
0x11: {  	[dreg:$0x6] =	wrdreg s5;
	s4 =	ssub.s32 s4, s7;
	s7 =	sadd.s32 s23, s1  }
0x12: {  	s22 =	sadd.s32 $0x4000, s3;
	s1 =	sadd.s32 s6, s1;
	s19 =	sshrl.u32 s3, $0x3  }
0x13: {  	s23 =	simm.s32 $0x1;
	s9 =	sadd.s32 $0x7000, s7;
	s10 =	sadd.s32 $0xF000, s7  }
0x14: {  	s11 =	sadd.s32 $0x7800, s7;
	s12 =	sadd.s32 $0xF800, s7;
	s13 =	smax.u32 s4, $0x1  }
0x15: {  	s14 =	sadd.s32 s0, s1;
	s22 =	sshrl.u32 s22, $0x3;
	s0 =	simm.s32 $0x0  }
.LBB2_1:
0x16: {  	s1 =	rddreg [dreg:$0x5]  }
0x17: {  	[tilespmem:s2], [sflag:$0x9] =	stream.linear.gather [hbm4b:s1+s2], $0x80, $0x38;
	[tilespmem:$0x10080] =	vst v63  }
0x18: {  	_ =	swait.ge [sflag:s15], $0x80  }
0x19: {  	[sflag:s15] =	ssyncset.done $0x0  }
0x1a: {  	s6 =	rddreg [dreg:$0x6];
	[sflag:s15] =	ssyncadd.s32 $0xFFFFFF80  }
0x1b: {  	v0 =	vld [tilespmem:s6+$0x0];
	_ =	sdelay $0x4  }
0x1c: {  	(v2sf) =	vpush v0, $0x0;
	_ =	sdelay $0xe  }
0x1d: {  	s7 =	spop (v2sf)  }
0x1e: {  	s4 =	sshll.u32 s7, $0x10  }
0x1f: {  	s5 =	rddreg [dreg:$0x0];
	s1 =	sand.u32 $0x1FFF0000, s4  }
0x20: {  	s8 =	rddreg [dreg:$0x7];
	s3 =	sadd.s32 s5, s1  }
0x21: {  	[tilespmem:s17], [sflag:$0x1] =	stream.linear.gather [hbm4b:s3+s2], $0x4000, $0x38;
	[tilespmem:$0x10080] =	vst v63  }
0x22: {  	s3 =	sadd.s32 s1, s8  }
0x23: {  	[spmem:s19], [sflag:s18] =	dma.local [hbm:s3], $0x800  }
0x24: {  	s3 =	rddreg [dreg:$0x8]  }
0x25: {  	s6 =	rddreg [dreg:$0x9]  }
0x26: {  	s3 =	sadd.s32 s1, s3;
	s1 =	sadd.s32 s1, s6  }
0x27: {  	[tilespmem:s20], [sflag:$0x2] =	stream.linear.gather [hbm4b:s3+s2], $0x4000, $0x38;
	[tilespmem:$0x10080] =	vst v63  }
0x28: {  	[spmem:s22], [sflag:s21] =	dma.local [hbm:s1], $0x800  }
0x29: {  	_ =	swait.ge [sflag:s23], $0x4000  }
0x2a: {  	[sflag:s23] =	ssyncset.done $0x0  }
0x2b: {  	s7 =	sadd.s32 $0x0, s14;
	[sflag:s23] =	ssyncadd.s32 $0xFFFFC000  }
0x2c: {  	[hbm4b:s7+s2] =	stream.linear.scatter [tilespmem:s17], [sflag:$0x3], $0x4000, $0x38;
	[tilespmem:$0x10080] =	vst v63  }
0x2d: {  	_ =	swait.ge [sflag:s24], $0x800  }
0x2e: {  	[sflag:s24] =	ssyncset.done $0x0  }
0x2f: {  	s6 =	sadd.s32 $0x8000, s7;
	s3 =	sor.u32 $0x1C07, s16;
	[sflag:s24] =	ssyncadd.s32 $0xFFFFF800  }
0x30: {  	[hbm:s6], [sflag:s3] =	dma.local [spmem:s19], $0x800  }
0x31: {  	_ =	swait.ge [sflag:s25], $0x4000  }
0x32: {  	[sflag:s25] =	ssyncset.done $0x0  }
0x33: {  	s8 =	sadd.s32 $0x800, s7;
	[sflag:s25] =	ssyncadd.s32 $0xFFFFC000  }
0x34: {  	[hbm4b:s8+s2] =	stream.linear.scatter [tilespmem:s20], [sflag:$0x4], $0x4000, $0x38;
	[tilespmem:$0x10080] =	vst v63  }
0x35: {  	_ =	swait.ge [sflag:s26], $0x800  }
0x36: {  	[sflag:s26] =	ssyncset.done $0x0  }
0x37: {  	s1 =	sor.u32 $0x1C08, s16;
	s7 =	sadd.s32 $0x8800, s7;
	[sflag:s26] =	ssyncadd.s32 $0xFFFFF800  }
0x38: {  	[hbm:s7], [sflag:s1] =	dma.local [spmem:s22], $0x800  }
0x39: {  	s4 =	sadd.s32 s4, s5;
	_ =	swait.ge [sflag:s28], $0x4000  }
0x3a: {  	s7 =	sadd.s32 $0x0, s4;
	[sflag:s28] =	ssyncset.done $0x0  }
0x3b: {  	s8 =	sadd.s32 $0x1000, s7;
	[sflag:s28] =	ssyncadd.s32 $0xFFFFC000  }
0x3c: {  	[tilespmem:s17], [sflag:$0x1] =	stream.linear.gather [hbm4b:s8+s2], $0x4000, $0x38;
	[tilespmem:$0x10080] =	vst v63  }
0x3d: {  	_ =	swait.ge [sflag:s29], $0x800  }
0x3e: {  	[sflag:s29] =	ssyncset.done $0x0  }
0x3f: {  	s5 =	sadd.s32 $0x9000, s7;
	[sflag:s29] =	ssyncadd.s32 $0xFFFFF800  }
0x40: {  	[spmem:s19], [sflag:s18] =	dma.local [hbm:s5], $0x800  }
0x41: {  	_ =	swait.ge [sflag:s30], $0x4000  }
0x42: {  	[sflag:s30] =	ssyncset.done $0x0  }
0x43: {  	s8 =	sadd.s32 $0x1800, s7;
	[sflag:s30] =	ssyncadd.s32 $0xFFFFC000  }
0x44: {  	[tilespmem:s20], [sflag:$0x2] =	stream.linear.gather [hbm4b:s8+s2], $0x4000, $0x38;
	[tilespmem:$0x10080] =	vst v63  }
0x45: {  	_ =	swait.ge [sflag:s31], $0x800  }
0x46: {  	[sflag:s31] =	ssyncset.done $0x0  }
0x47: {  	s6 =	simm.s32 $0x1000;
	s7 =	sadd.s32 $0x9800, s7;
	[sflag:s31] =	ssyncadd.s32 $0xFFFFF800  }
.LBB2_2:
0x48: {  	[spmem:s22], [sflag:s21] =	dma.local [hbm:s7], $0x800  }
0x49: {  	s7 =	smov.u32 s6  }
0x4a: {  	p0 =	sne.s32 s6, $0x6000;
	s6 =	sadd.s32 $0x1000, s6;
	_ =	swait.ge [sflag:s23], $0x4000  }
0x4b: {  	[sflag:s23] =	ssyncset.done $0x0  }
0x4c: {  	s5 =	sadd.s32 s7, s14;
	[sflag:s23] =	ssyncadd.s32 $0xFFFFC000  }
0x4d: {  	[hbm4b:s5+s2] =	stream.linear.scatter [tilespmem:s17], [sflag:$0x3], $0x4000, $0x38;
	[tilespmem:$0x10080] =	vst v63  }
0x4e: {  	_ =	swait.ge [sflag:s24], $0x800  }
0x4f: {  	[sflag:s24] =	ssyncset.done $0x0  }
0x50: {  	s8 =	sadd.s32 $0x8000, s5;
	[sflag:s24] =	ssyncadd.s32 $0xFFFFF800  }
0x51: {  	[hbm:s8], [sflag:s3] =	dma.local [spmem:s19], $0x800  }
0x52: {  	_ =	swait.ge [sflag:s25], $0x4000  }
0x53: {  	[sflag:s25] =	ssyncset.done $0x0  }
0x54: {  	s8 =	sadd.s32 $0x800, s5;
	[sflag:s25] =	ssyncadd.s32 $0xFFFFC000  }
0x55: {  	[hbm4b:s8+s2] =	stream.linear.scatter [tilespmem:s20], [sflag:$0x4], $0x4000, $0x38;
	[tilespmem:$0x10080] =	vst v63  }
0x56: {  	_ =	swait.ge [sflag:s26], $0x800  }
0x57: {  	[sflag:s26] =	ssyncset.done $0x0  }
0x58: {  	s5 =	sadd.s32 $0x8800, s5;
	[sflag:s26] =	ssyncadd.s32 $0xFFFFF800  }
0x59: {  	[hbm:s5], [sflag:s1] =	dma.local [spmem:s22], $0x800  }
0x5a: {  	_ =	swait.ge [sflag:s28], $0x4000  }
0x5b: {  	s5 =	sadd.s32 s7, s4;
	[sflag:s28] =	ssyncset.done $0x0  }
0x5c: {  	s7 =	sadd.s32 $0x1000, s5;
	[sflag:s28] =	ssyncadd.s32 $0xFFFFC000  }
0x5d: {  	[tilespmem:s17], [sflag:$0x1] =	stream.linear.gather [hbm4b:s7+s2], $0x4000, $0x38;
	[tilespmem:$0x10080] =	vst v63  }
0x5e: {  	_ =	swait.ge [sflag:s29], $0x800  }
0x5f: {  	[sflag:s29] =	ssyncset.done $0x0  }
0x60: {  	s7 =	sadd.s32 $0x9000, s5;
	[sflag:s29] =	ssyncadd.s32 $0xFFFFF800  }
0x61: {  	[spmem:s19], [sflag:s18] =	dma.local [hbm:s7], $0x800  }
0x62: {  	_ =	swait.ge [sflag:s30], $0x4000  }
0x63: {  	[sflag:s30] =	ssyncset.done $0x0  }
.Ltmp0:
0x64: {  	s7 =	sadd.s32 $0x1800, s5;
	[sflag:s30] =	ssyncadd.s32 $0xFFFFC000;
	(pc) =	sbr.rel @p0 .LBB2_2-.Ltmp0, $4  }
0x65: {  	[tilespmem:s20], [sflag:$0x2] =	stream.linear.gather [hbm4b:s7+s2], $0x4000, $0x38;
	[tilespmem:$0x10080] =	vst v63  }
0x66: {  	_ =	swait.ge [sflag:s31], $0x800  }
0x67: {  	[sflag:s31] =	ssyncset.done $0x0  }
0x68: {  	s7 =	sadd.s32 $0x9800, s5;
	[sflag:s31] =	ssyncadd.s32 $0xFFFFF800  }
0x69: {  	[spmem:s22], [sflag:s21] =	dma.local [hbm:s7], $0x800  }
0x6a: {  	_ =	swait.ge [sflag:s23], $0x4000  }
0x6b: {  	[sflag:s23] =	ssyncset.done $0x0  }
0x6c: {  	[sflag:s23] =	ssyncadd.s32 $0xFFFFC000  }
0x6d: {  	[hbm4b:s9+s2] =	stream.linear.scatter [tilespmem:s17], [sflag:$0x3], $0x4000, $0x38;
	[tilespmem:$0x10080] =	vst v63  }
0x6e: {  	_ =	swait.ge [sflag:s24], $0x800  }
0x6f: {  	[sflag:s24] =	ssyncset.done $0x0  }
0x70: {  	[sflag:s24] =	ssyncadd.s32 $0xFFFFF800  }
0x71: {  	[hbm:s10], [sflag:s3] =	dma.local [spmem:s19], $0x800  }
0x72: {  	_ =	swait.ge [sflag:s25], $0x4000  }
0x73: {  	[sflag:s25] =	ssyncset.done $0x0  }
0x74: {  	[sflag:s25] =	ssyncadd.s32 $0xFFFFC000  }
0x75: {  	[hbm4b:s11+s2] =	stream.linear.scatter [tilespmem:s20], [sflag:$0x4], $0x4000, $0x38;
	[tilespmem:$0x10080] =	vst v63  }
0x76: {  	_ =	swait.ge [sflag:s26], $0x800  }
0x77: {  	[sflag:s26] =	ssyncset.done $0x0  }
0x78: {  	[sflag:s26] =	ssyncadd.s32 $0xFFFFF800  }
0x79: {  	[hbm:s12], [sflag:s1] =	dma.local [spmem:s22], $0x800  }
0x7a: {  	_ =	swait.ge [sflag:s28], $0x4000  }
0x7b: {  	[sflag:s28] =	ssyncset.done $0x0  }
0x7c: {  	[sflag:s28] =	ssyncadd.s32 $0xFFFFC000  }
0x7d: {  	_ =	swait.ge [sflag:s29], $0x800  }
0x7e: {  	[sflag:s29] =	ssyncset.done $0x0  }
0x7f: {  	s0 =	sadd.s32 $0x1, s0;
	[sflag:s29] =	ssyncadd.s32 $0xFFFFF800  }
0x80: {  	p0 =	sne.s32 s0, s13;
	_ =	swait.ge [sflag:s30], $0x4000  }
.Ltmp1:
0x81: {  	[sflag:s30] =	ssyncset.done $0x0;
	(pc) =	sbr.rel @p0 .LBB2_1-.Ltmp1, $4  }
0x82: {  	[sflag:s30] =	ssyncadd.s32 $0xFFFFC000  }
0x83: {  	_ =	swait.ge [sflag:s31], $0x800  }
0x84: {  	[sflag:s31] =	ssyncset.done $0x0  }
0x85: {  	[sflag:s31] =	ssyncadd.s32 $0xFFFFF800  }
0x86: {  	_ =	sfence.sel $0x180000  }
0x87: {  	[bflag:$0x0] =	sbarrier.arrive $0xFFFF  }
0x88: {  	_ =	strace $0x90000047  }
0x89: {  	s0 =	stileid.u32;
	[bflag:$0x2] =	sbarrier.arrive $0xFFFF  }
0x8a: {  	p0 =	sne.s32 s0, $0x0;
	s0 =	rddreg [dreg:$0x4]  }
0x8b: {  	s0 =	sadd.s32 @!p0 $0x100000, s0  }
0x8c: {  	[sflag:s0] =	ssyncadd.tile.s32 @!p0 $0x1;
	_ =	shalt  }
.Lfunc_end2:
_tile_overlayer_lowered:
.L_overlay_start_2:
0x8d: {  	(tag) =	ssettag $0x2  }
0x8e: {  	s0 =	rddreg [dreg:$0x0];
	s2 =	stileid.u32  }
0x8f: {  	s1 =	rddreg [dreg:$0x1];
	p0 =	sne.s32 s2, $0x0  }
0x90: {  	s3 =	rddreg [dreg:$0x2];
	[bflag:$0x3] =	sbarrier.arrive $0xFFFF;
	s2 =	simm.s32 @!p0 $0x1C09  }
0x91: {  	[timem:s3], [sflag:s2] =	dma.local @!p0 [hbm:s0], s1  }
0x92: {  	s0 =	simm.s32 @!p0 $0x9  }
0x93: {  	_ =	swait.ge @!p0 [sflag:s0], s1  }
0x94: {  	s1 =	ssub.s32 @!p0 $0x0, s1;
	[sflag:s0] =	ssyncset.done @!p0 $0x0  }
0x95: {  	[sflag:s0] =	ssyncadd.s32 @!p0 s1  }
0x96: {  	[bflag:$0x3] =	sbarrier.arrive $0xFFFF  }
0x97: {  	_ =	shalt  }

</sc_bundles>
